<compile_context>
chip_gen: v7x
topology: tpu7x:2x2x1
jax: 0.10.2.dev20260603
libtpu: 0.0.44.dev20260713+nightly
codegen_flags: <defaults>
</compile_context>

<pallas_src>
import functools

import jax
import jax.numpy as jnp
from jax import lax
from jax.experimental import pallas as pl
from jax.experimental.pallas import tpu as pltpu
from jax.experimental.pallas import tpu_sc as plsc

N = 10000
E = 320000
D_NODE = 128
D_EDGE = 16
H = 20
ATT_EMB = 1280
D_HEAD = ATT_EMB // H
DIN = 2 * D_NODE + D_EDGE
D_FF = ATT_EMB * 4
INV_SQRT_DHEAD = 1.0 / (D_HEAD ** 0.5)

_C = 1
_EC = E // _C
_B = 1280
_KC = _EC // _B

_GB = 128
_NBB = _B // _GB
_NBC = (2 * _EC) // _GB
_NHALF = _NBC // 2
_NW = 32
_NGC = _NBC // 8
_PERG = _NGC // _NW
_REMG = _NGC - _PERG * _NW
_CUT = _NW - _REMG
_MAXROWS = (_PERG + 1) * 8
_CHB = 2
_CHROWS = _CHB * _GB


def _out_row(gb):
    half = (gb >= _NHALF).astype(jnp.int32)
    q = gb - half * _NHALF
    blk = q // _NBB
    off = q % _NBB
    return blk * (2 * _B) + half * _B + off * _GB


def _sc_gather(h, idx2d):
    mesh = plsc.VectorSubcoreMesh(core_axis_name="c", subcore_axis_name="s")

    @functools.partial(
        pl.kernel,
        mesh=mesh,
        out_type=jax.ShapeDtypeStruct((2 * _EC, D_NODE), jnp.float32),
        scratch_types=[
            pltpu.VMEM((_MAXROWS, _GB), jnp.int32),
            pltpu.VMEM((_CHROWS, D_NODE), jnp.float32),
            pltpu.VMEM((_CHROWS, D_NODE), jnp.float32),
            pltpu.SemaphoreType.DMA,
            pltpu.SemaphoreType.DMA,
        ],
    )
    def gather_kernel(h_hbm, idx_hbm, out_hbm, idx_v, buf_a, buf_b,
                      sem_a, sem_b):
        c = lax.axis_index("c")
        s = lax.axis_index("s")
        wid = s * 2 + c
        extra = jnp.maximum(wid - _CUT, 0)
        ng = jnp.where(wid >= _CUT, _PERG + 1, _PERG)
        start = (wid * _PERG + extra) * 8
        nchunk = ng * (8 // _CHB)
        pltpu.sync_copy(idx_hbm.at[pl.ds(start, _MAXROWS), :], idx_v)

        def fire(buf, sem, t):
            cps = []
            for i in range(_CHB):
                cps.append(pltpu.async_copy(
                    h_hbm.at[idx_v.at[t * _CHB + i]],
                    buf.at[pl.ds(i * _GB, _GB)], sem))
            return cps

        def drain(cps):
            for cp in cps:
                cp.wait()

        def write(buf, t):
            for i in range(_CHB):
                gb = start + t * _CHB + i
                pltpu.sync_copy(
                    buf.at[pl.ds(i * _GB, _GB)],
                    out_hbm.at[pl.ds(_out_row(gb), _GB)])

        def drain_a():
            for i in range(_CHB):
                pltpu.make_async_copy(
                    h_hbm.at[idx_v.at[0]],
                    buf_a.at[pl.ds(i * _GB, _GB)], sem_a).wait()

        fire(buf_a, sem_a, 0)

        def body2(t2, carry):
            ta = 2 * t2
            cps_b = fire(buf_b, sem_b, ta + 1)
            drain_a()
            write(buf_a, ta)
            fire(buf_a, sem_a, jnp.minimum(ta + 2, nchunk - 1))
            drain(cps_b)
            write(buf_b, ta + 1)
            return carry

        lax.fori_loop(0, nchunk // 2, body2, 0)
        drain_a()

    return gather_kernel(h, idx2d)


def _to_col(v):
    ri = lax.broadcasted_iota(jnp.int32, (H, H), 0)
    ci = lax.broadcasted_iota(jnp.int32, (H, H), 1)
    bc = jnp.broadcast_to(v, (H, H))
    return jnp.sum(jnp.where(ri == ci, bc, 0.0), axis=1, keepdims=True)


def _exact_gelu(x):
    return 0.5 * x * (1.0 + lax.erf(x * (2.0 ** -0.5)))


def _main_body(hij_ref, e_ref, watt_ref, wnode_ref, batt_ref, bnode_ref,
               w_ref, ms_ref, g_ref):
    k = pl.program_id(0)

    @pl.when(k == 0)
    def _():
        ms_ref[...] = jnp.zeros((2, H), jnp.float32)
        g_ref[...] = jnp.zeros((H, ATT_EMB), jnp.float32)

    x = jnp.concatenate(
        [hij_ref[0:_B, :].astype(jnp.bfloat16),
         e_ref[...].astype(jnp.bfloat16),
         hij_ref[_B:2 * _B, :].astype(jnp.bfloat16)], axis=1)

    pre_w = (jnp.dot(x, watt_ref[...], preferred_element_type=jnp.float32)
             + batt_ref[...])
    w = jnp.maximum(pre_w, 0.0) * INV_SQRT_DHEAD
    w_ref[...] = w.T

    pre_v = (jnp.dot(x, wnode_ref[...], preferred_element_type=jnp.float32)
             + bnode_ref[...])
    vj = _exact_gelu(pre_v)

    m_prev = ms_ref[0:1, :]
    s_prev = ms_ref[1:2, :]
    mb = jnp.max(w, axis=0, keepdims=True)
    m_new = jnp.maximum(m_prev, mb)
    alpha = jnp.exp(m_prev - m_new)
    p = jnp.exp(w - m_new)
    ms_ref[0:1, :] = m_new
    ms_ref[1:2, :] = s_prev * alpha + jnp.sum(p, axis=0, keepdims=True)

    ptv = lax.dot_general(
        p.astype(jnp.bfloat16), vj.astype(jnp.bfloat16),
        (((0,), (0,)), ((), ())), preferred_element_type=jnp.float32
    )
    g_ref[...] = g_ref[...] * _to_col(alpha) + ptv


_FFB = 640
_KF = D_FF // _FFB


def _epilogue_body(g_ref, ms_ref, w1_ref, b1_ref, w2_ref, b2_ref, wh_ref,
                   out_ref, msg_ref, gfea_ref, uacc_ref):
    i = pl.program_id(0)

    @pl.when(i == 0)
    def _():
        m = ms_ref[0:1, :]
        for c in range(1, _C):
            m = jnp.maximum(m, ms_ref[2 * c:2 * c + 1, :])
        s = jnp.zeros((1, H), jnp.float32)
        g = jnp.zeros((H, ATT_EMB), jnp.float32)
        for c in range(_C):
            a_c = jnp.exp(ms_ref[2 * c:2 * c + 1, :] - m)
            s = s + a_c * ms_ref[2 * c + 1:2 * c + 2, :]
            g = g + _to_col(a_c) * g_ref[H * c:H * (c + 1), :]
        msg_ref[0:1, :] = m
        msg_ref[1:2, :] = s

        gn = g / _to_col(s)
        ri = lax.broadcasted_iota(jnp.int32, (H, ATT_EMB), 0)
        ci = lax.broadcasted_iota(jnp.int32, (H, ATT_EMB), 1)
        gfea_ref[...] = jnp.sum(jnp.where(ci // D_HEAD == ri, gn, 0.0),
                                axis=0, keepdims=True)
        uacc_ref[...] = jnp.zeros((1, ATT_EMB), jnp.float32)

    t = jnp.maximum(
        lax.dot_general(gfea_ref[...].astype(jnp.bfloat16), w1_ref[...],
                        (((1,), (1,)), ((), ())),
                        preferred_element_type=jnp.float32)
        + b1_ref[...], 0.0)
    uacc_ref[...] += lax.dot_general(
        t.astype(jnp.bfloat16), w2_ref[...], (((1,), (1,)), ((), ())),
        preferred_element_type=jnp.float32)

    @pl.when(i == _KF - 1)
    def _():
        u = uacc_ref[...] + b2_ref[...]
        out_ref[...] = lax.dot_general(
            u.astype(jnp.bfloat16), wh_ref[...], (((1,), (1,)), ((), ())),
            preferred_element_type=jnp.float32)


_B2 = 6400


def _att_body(w_ref, ms_ref, att_ref):
    m_col = _to_col(ms_ref[0:1, :])
    s_col = _to_col(ms_ref[1:2, :])
    att_t = jnp.exp(w_ref[...] - m_col) / s_col
    att_ref[...] = att_t.T


def kernel(h, edge_core, core_edge_idx, Watt, batt, Wnode, bnode,
           W1, b1, W2, b2, Wh):
    bf16 = jnp.bfloat16
    nb_half = E // _GB
    nbc_half = _EC // _GB
    idx2d = core_edge_idx.reshape(2 * nb_half, _GB)

    watt_t = Watt.T.astype(bf16)
    wnode_t = Wnode.T.astype(bf16)
    batt2 = batt.reshape(1, H)
    bnode2 = bnode.reshape(1, ATT_EMB)

    full = lambda shape: pl.BlockSpec(shape, lambda k: (0, 0))
    main_call = pl.pallas_call(
        _main_body,
        grid=(_KC,),
        in_specs=[
            pl.BlockSpec((2 * _B, D_NODE), lambda k: (k, 0)),
            pl.BlockSpec((_B, D_EDGE), lambda k: (k, 0)),
            full((DIN, H)), full((DIN, ATT_EMB)),
            full((1, H)), full((1, ATT_EMB)),
        ],
        out_specs=[
            pl.BlockSpec((H, _B), lambda k: (0, k)),
            full((2, H)),
            full((H, ATT_EMB)),
        ],
        out_shape=[
            jax.ShapeDtypeStruct((H, _EC), jnp.float32),
            jax.ShapeDtypeStruct((2, H), jnp.float32),
            jax.ShapeDtypeStruct((H, ATT_EMB), jnp.float32),
        ],
    )

    w_chunks, ms_chunks, g_chunks = [], [], []
    for c in range(_C):
        if _C == 1:
            idx_c = idx2d
        else:
            idx_c = jnp.concatenate(
                [idx2d[c * nbc_half:(c + 1) * nbc_half],
                 idx2d[nb_half + c * nbc_half:
                       nb_half + (c + 1) * nbc_half]], axis=0)
        gath = _sc_gather(h, idx_c)
        edge_c = (edge_core if _C == 1 else
                  lax.slice_in_dim(edge_core, c * _EC, (c + 1) * _EC))
        w_c, ms_c, g_c = main_call(gath, edge_c, watt_t, wnode_t,
                                   batt2, bnode2)
        w_chunks.append(w_c)
        ms_chunks.append(ms_c)
        g_chunks.append(g_c)

    ms_all = (ms_chunks[0] if _C == 1 else
              jnp.concatenate(ms_chunks, axis=0))
    g_all = (g_chunks[0] if _C == 1 else
             jnp.concatenate(g_chunks, axis=0))

    global_fea, ms_g = pl.pallas_call(
        _epilogue_body,
        grid=(_KF,),
        in_specs=[
            full((_C * H, ATT_EMB)), full((2 * _C, H)),
            pl.BlockSpec((_FFB, ATT_EMB), lambda i: (i, 0)),
            pl.BlockSpec((1, _FFB), lambda i: (0, i)),
            pl.BlockSpec((ATT_EMB, _FFB), lambda i: (0, i)),
            full((1, ATT_EMB)), full((ATT_EMB, ATT_EMB)),
        ],
        out_specs=[full((1, ATT_EMB)), full((2, H))],
        out_shape=[
            jax.ShapeDtypeStruct((1, ATT_EMB), jnp.float32),
            jax.ShapeDtypeStruct((2, H), jnp.float32),
        ],
        scratch_shapes=[
            pltpu.VMEM((1, ATT_EMB), jnp.float32),
            pltpu.VMEM((1, ATT_EMB), jnp.float32),
        ],
    )(g_all, ms_all, W1.astype(bf16), b1.reshape(1, D_FF),
      W2.astype(bf16), b2.reshape(1, ATT_EMB), Wh.astype(bf16))

    att_call = pl.pallas_call(
        _att_body,
        grid=(_EC // _B2,),
        in_specs=[pl.BlockSpec((H, _B2), lambda k: (0, k)), full((2, H))],
        out_specs=pl.BlockSpec((_B2, H), lambda k: (k, 0)),
        out_shape=jax.ShapeDtypeStruct((_EC, H), jnp.float32),
    )
    att_chunks = [att_call(w_c, ms_g) for w_c in w_chunks]
    att = (att_chunks[0] if _C == 1 else
           jnp.concatenate(att_chunks, axis=0))

    return (h, edge_core, global_fea.reshape(ATT_EMB), att)

# --- scband reference (transcript-rebuilt; emitter-appended) ---
"""Pipeline reference for scband-ppaplayer-74045236183648 (READ-ONLY COPY).

The authoritative reference and input builder live on the scoring server;
editing this copy changes nothing except your own understanding.
"""

import jax, jax.numpy as jnp
import numpy as np

N, E, D_NODE, D_EDGE, H, ATT_EMB = 10000, 320000, 128, 16, 20, 1280
D_HEAD = ATT_EMB // H
DIN = 2 * D_NODE + D_EDGE
D_FF = ATT_EMB * 4


def setup_inputs(seed: int = 0) -> dict:
    key = jax.random.key(seed)
    ks = jax.random.split(key, 12)
    inp = {}
    inp['h'] = jax.random.normal(ks[0], (N, D_NODE), dtype=jnp.float32)
    inp['edge_core'] = jax.random.normal(ks[1], (E, D_EDGE), dtype=jnp.float32)
    inp['core_edge_idx'] = jax.random.randint(ks[2], (2, E), 0, N, dtype=jnp.int32)
    # learned parameters
    inp['Watt'] = jax.random.normal(ks[3], (H, DIN), dtype=jnp.float32) / np.sqrt(DIN)
    inp['batt'] = jnp.zeros((H,), dtype=jnp.float32)
    inp['Wnode'] = jax.random.normal(ks[4], (ATT_EMB, DIN), dtype=jnp.float32) / np.sqrt(DIN)
    inp['bnode'] = jnp.zeros((ATT_EMB,), dtype=jnp.float32)
    inp['W1'] = jax.random.normal(ks[5], (D_FF, ATT_EMB), dtype=jnp.float32) / np.sqrt(ATT_EMB)
    inp['b1'] = jnp.zeros((D_FF,), dtype=jnp.float32)
    inp['W2'] = jax.random.normal(ks[6], (ATT_EMB, D_FF), dtype=jnp.float32) / np.sqrt(D_FF)
    inp['b2'] = jnp.zeros((ATT_EMB,), dtype=jnp.float32)
    inp['Wh'] = jax.random.normal(ks[7], (1280, ATT_EMB), dtype=jnp.float32) / np.sqrt(ATT_EMB)
    return inp


def reference(h, edge_core, core_edge_idx, Watt, batt, Wnode, bnode, W1, b1, W2, b2, Wh):
    # gather endpoint node features per edge
    hi_c = jnp.take(h, core_edge_idx[0], axis=0)
    hj_c = jnp.take(h, core_edge_idx[1], axis=0)
    hi_eij_hj_c = jnp.concatenate([hi_c, edge_core, hj_c], axis=-1)  # [E, DIN]
    # attention logits (ReLU MLP), scaled
    w_c = jax.nn.relu(hi_eij_hj_c @ Watt.T + batt) / np.sqrt(D_HEAD)  # [E, H]
    # softmax over the EDGE dimension (dim=0), as in the torch module
    att_c = jax.nn.softmax(w_c, axis=0)  # [E, H]
    # per-edge values, exact GELU (torch default)
    vj_c = jax.nn.gelu(hi_eij_hj_c @ Wnode.T + bnode, approximate=False)  # [E, ATT_EMB]
    vj_c = vj_c.reshape(E, H, D_HEAD)
    gfea = att_c[:, :, None] * vj_c  # einsum('nh,nhd->nhd')
    gfea = gfea.reshape(E, H * D_HEAD)
    gfea = gfea.sum(axis=0)  # [ATT_EMB]
    gfea = jax.nn.relu(gfea @ W1.T + b1) @ W2.T + b2  # ff_g
    global_fea = gfea @ Wh.T  # to_h_c, no bias
    return (h, edge_core, global_fea, att_c)

if __name__ == "__main__":
    import jax
    _d = setup_inputs()
    print(jax.jit(kernel)(*tuple(_d.values())))

</pallas_src>

<mosaic_0001>
#map = affine_map<(d0, d1) -> (0, 0)>
module attributes {stable_mosaic.version = 14 : i64} {
  func.func @gather_kernel(%arg0: i32, %arg1: i32, %arg2: memref<10000x128xf32, #tpu.memory_space<hbm>>, %arg3: memref<5000x128xi32, #tpu.memory_space<hbm>>, %arg4: memref<640000x128xf32, #tpu.memory_space<hbm>>, %arg5: memref<160x128xi32, #tpu.memory_space<vmem>>, %arg6: memref<256x128xf32, #tpu.memory_space<vmem>>, %arg7: memref<256x128xf32, #tpu.memory_space<vmem>>, %arg8: memref<!tpu.dma_semaphore, #tpu.memory_space<semaphore_mem>>, %arg9: memref<!tpu.dma_semaphore, #tpu.memory_space<semaphore_mem>>) attributes {dimension_semantics = [#tpu.dimension_semantics<core_parallel>, #tpu.dimension_semantics<subcore_parallel>], iteration_bounds = array<i64: 2, 16>, scalar_prefetch = 0 : i64, scratch_operands = 5 : i64, tpu.core_type = #tpu.core_type<sc_vector_subcore>, window_params = [{transform_indices = #map}, {transform_indices = #map}, {transform_indices = #map}]} {
    %mul3A = arith.constant 2 : i32
    %mul3A_0 = arith.muli %arg1, %mul3A : i32
    %add3A = arith.addi %mul3A_0, %arg0 : i32
    %sub3A = arith.constant 15 : i32
    %sub3A_1 = arith.subi %add3A, %sub3A : i32
    %max3A = arith.constant 0 : i32
    %max3A_2 = arith.maxsi %sub3A_1, %max3A : i32
    %ge3A = arith.constant 15 : i32
    %ge3A_3 = arith.cmpi sge, %add3A, %ge3A : i32
    %jit3A = arith.constant 20 : i32
    %jit3A_4 = arith.constant 19 : i32
    %select_n3A = arith.select %ge3A_3, %jit3A, %jit3A_4 : i32
    %mul3A_5 = arith.constant 19 : i32
    %mul3A_6 = arith.muli %add3A, %mul3A_5 : i32
    %add3A_7 = arith.addi %mul3A_6, %max3A_2 : i32
    %mul3A_8 = arith.constant 8 : i32
    %mul3A_9 = arith.muli %add3A_7, %mul3A_8 : i32
    %mul3A_10 = arith.constant 4 : i32
    %mul3A_11 = arith.muli %select_n3A, %mul3A_10 : i32
    "tpu.region"() ({
      %run_scoped3A = tpu.sem_alloc : memref<!tpu.dma_semaphore, #tpu.memory_space<semaphore_mem>>
      %dma_start3A_78 = arith.constant 0 : i32
      %dma_start3A_79 = tpu.memref_slice %arg3[%mul3A_9, %dma_start3A_78] : memref<5000x128xi32, #tpu.memory_space<hbm>> -> memref<160x128xi32, #tpu.memory_space<hbm>>
      %dma_start3A_80 = arith.constant 0 : i32
      %dma_start3A_81 = tpu.memref_slice %arg3[%mul3A_9, %dma_start3A_80] : memref<5000x128xi32, #tpu.memory_space<hbm>> -> memref<160x128xi32, #tpu.memory_space<hbm>>
      tpu.enqueue_dma source(%dma_start3A_81 : memref<160x128xi32, #tpu.memory_space<hbm>>) target(%arg5 : memref<160x128xi32, #tpu.memory_space<vmem>>) target_semaphore(%run_scoped3A : memref<!tpu.dma_semaphore, #tpu.memory_space<semaphore_mem>>)
      %dma_wait3A_82 = arith.constant 0 : i32
      %dma_wait3A_83 = tpu.memref_slice %arg3[%mul3A_9, %dma_wait3A_82] : memref<5000x128xi32, #tpu.memory_space<hbm>> -> memref<160x128xi32, #tpu.memory_space<hbm>>
      %dma_wait3A_84 = arith.constant 0 : i32
      %dma_wait3A_85 = tpu.memref_slice %arg3[%mul3A_9, %dma_wait3A_84] : memref<5000x128xi32, #tpu.memory_space<hbm>> -> memref<160x128xi32, #tpu.memory_space<hbm>>
      tpu.wait_dma2 semaphore(%run_scoped3A : memref<!tpu.dma_semaphore, #tpu.memory_space<semaphore_mem>>) src(%dma_wait3A_85 : memref<160x128xi32, #tpu.memory_space<hbm>>) dst(%arg5 : memref<160x128xi32, #tpu.memory_space<vmem>>)
      tpu.yield
    }) : () -> ()
    %dma_start3A = arith.constant 0 : i32
    %dma_start3A_12 = arith.constant 0 : i32
    %dma_start3A_13 = arith.constant 0 : i32
    %dma_start3A_14 = tpu.memref_slice %arg6[%dma_start3A_12, %dma_start3A_13] : memref<256x128xf32, #tpu.memory_space<vmem>> -> memref<128x128xf32, #tpu.memory_space<vmem>>
    %dma_start3A_15 = arith.constant 0 : i32
    %dma_start3A_16 = tpu.memref_slice %arg5[%dma_start3A, %dma_start3A_15] : memref<160x128xi32, #tpu.memory_space<vmem>> -> memref<1x128xi32, #tpu.memory_space<vmem>>
    %dma_start3A_17 = tpu.memref_squeeze %dma_start3A_16 : memref<1x128xi32, #tpu.memory_space<vmem>> -> memref<128xi32, #tpu.memory_space<vmem>>
    %dma_start3A_18 = arith.constant 0 : i32
    %dma_start3A_19 = arith.constant 0 : i32
    %dma_start3A_20 = tpu.memref_slice %arg2[%dma_start3A_18, %dma_start3A_19] : memref<10000x128xf32, #tpu.memory_space<hbm>> -> memref<10000x128xf32, #tpu.memory_space<hbm>>
    tpu.enqueue_indirect_dma source(%dma_start3A_20 : memref<10000x128xf32, #tpu.memory_space<hbm>>) target(%dma_start3A_14 : memref<128x128xf32, #tpu.memory_space<vmem>>) offsets(%dma_start3A_17 : memref<128xi32, #tpu.memory_space<vmem>>) semaphore(%arg8 : memref<!tpu.dma_semaphore, #tpu.memory_space<semaphore_mem>>)
    %dma_start3A_21 = arith.constant 1 : i32
    %dma_start3A_22 = arith.constant 128 : i32
    %dma_start3A_23 = arith.constant 0 : i32
    %dma_start3A_24 = tpu.memref_slice %arg6[%dma_start3A_22, %dma_start3A_23] : memref<256x128xf32, #tpu.memory_space<vmem>> -> memref<128x128xf32, #tpu.memory_space<vmem>>
    %dma_start3A_25 = arith.constant 0 : i32
    %dma_start3A_26 = tpu.memref_slice %arg5[%dma_start3A_21, %dma_start3A_25] : memref<160x128xi32, #tpu.memory_space<vmem>> -> memref<1x128xi32, #tpu.memory_space<vmem>>
    %dma_start3A_27 = tpu.memref_squeeze %dma_start3A_26 : memref<1x128xi32, #tpu.memory_space<vmem>> -> memref<128xi32, #tpu.memory_space<vmem>>
    %dma_start3A_28 = arith.constant 0 : i32
    %dma_start3A_29 = arith.constant 0 : i32
    %dma_start3A_30 = tpu.memref_slice %arg2[%dma_start3A_28, %dma_start3A_29] : memref<10000x128xf32, #tpu.memory_space<hbm>> -> memref<10000x128xf32, #tpu.memory_space<hbm>>
    tpu.enqueue_indirect_dma source(%dma_start3A_30 : memref<10000x128xf32, #tpu.memory_space<hbm>>) target(%dma_start3A_24 : memref<128x128xf32, #tpu.memory_space<vmem>>) offsets(%dma_start3A_27 : memref<128xi32, #tpu.memory_space<vmem>>) semaphore(%arg8 : memref<!tpu.dma_semaphore, #tpu.memory_space<semaphore_mem>>)
    %jit3A_31 = arith.constant 2 : i32
    %div3A = arith.divsi %mul3A_11, %jit3A_31 : i32
    %sign3A = arith.constant 0 : i32
    %sign3A_32 = arith.cmpi sgt, %mul3A_11, %sign3A : i32
    %sign3A_33 = arith.extui %sign3A_32 : i1 to i32
    %sign3A_34 = arith.constant 0 : i32
    %sign3A_35 = arith.cmpi slt, %mul3A_11, %sign3A_34 : i32
    %sign3A_36 = arith.extui %sign3A_35 : i1 to i32
    %sign3A_37 = arith.subi %sign3A_33, %sign3A_36 : i32
    %sign3A_38 = arith.constant 0 : i32
    %sign3A_39 = arith.cmpi sgt, %jit3A_31, %sign3A_38 : i32
    %sign3A_40 = arith.extui %sign3A_39 : i1 to i32
    %sign3A_41 = arith.constant 0 : i32
    %sign3A_42 = arith.cmpi slt, %jit3A_31, %sign3A_41 : i32
    %sign3A_43 = arith.extui %sign3A_42 : i1 to i32
    %sign3A_44 = arith.subi %sign3A_40, %sign3A_43 : i32
    %ne3A = arith.cmpi ne, %sign3A_37, %sign3A_44 : i32
    %rem3A = arith.remsi %mul3A_11, %jit3A_31 : i32
    %ne3A_45 = arith.constant 0 : i32
    %ne3A_46 = arith.cmpi ne, %rem3A, %ne3A_45 : i32
    %and3A = arith.andi %ne3A, %ne3A_46 : i1
    %sub3A_47 = arith.constant 1 : i32
    %sub3A_48 = arith.subi %div3A, %sub3A_47 : i32
    %select_n3A_49 = arith.select %and3A, %sub3A_48, %div3A : i32
    %while3A = arith.constant 0 : i32
    %while3A_50 = arith.constant 0 : i32
    %while3A_51 = arith.subi %select_n3A_49, %while3A_50 : i32
    %while3A_52 = arith.addi %while3A_50, %while3A_51 : i32
    %while3A_53 = arith.constant 1 : i32
    %while3A_54 = arith.divsi %while3A_51, %while3A_53 : i32
    %while3A_55 = arith.muli %while3A_54, %while3A_53 : i32
    %while3A_56 = arith.addi %while3A_50, %while3A_55 : i32
    %while3A_57 = arith.constant 1 : i32
    scf.for %while3A_78 = %while3A_50 to %while3A_56 step %while3A_57  : i32 {
      %mul3A_79 = arith.constant 2 : i32
      %mul3A_80 = arith.muli %mul3A_79, %while3A_78 : i32
      %add3A_81 = arith.constant 1 : i32
      %add3A_82 = arith.addi %mul3A_80, %add3A_81 : i32
      %mul3A_83 = arith.constant 2 : i32
      %mul3A_84 = arith.muli %add3A_82, %mul3A_83 : i32
      %add3A_85 = arith.constant 0 : i32
      %add3A_86 = arith.addi %mul3A_84, %add3A_85 : i32
      %dma_start3A_87 = arith.constant 0 : i32
      %dma_start3A_88 = arith.constant 0 : i32
      %dma_start3A_89 = tpu.memref_slice %arg7[%dma_start3A_87, %dma_start3A_88] : memref<256x128xf32, #tpu.memory_space<vmem>> -> memref<128x128xf32, #tpu.memory_space<vmem>>
      %dma_start3A_90 = arith.constant 0 : i32
      %dma_start3A_91 = tpu.memref_slice %arg5[%add3A_86, %dma_start3A_90] : memref<160x128xi32, #tpu.memory_space<vmem>> -> memref<1x128xi32, #tpu.memory_space<vmem>>
      %dma_start3A_92 = tpu.memref_squeeze %dma_start3A_91 : memref<1x128xi32, #tpu.memory_space<vmem>> -> memref<128xi32, #tpu.memory_space<vmem>>
      %dma_start3A_93 = arith.constant 0 : i32
      %dma_start3A_94 = arith.constant 0 : i32
      %dma_start3A_95 = tpu.memref_slice %arg2[%dma_start3A_93, %dma_start3A_94] : memref<10000x128xf32, #tpu.memory_space<hbm>> -> memref<10000x128xf32, #tpu.memory_space<hbm>>
      tpu.enqueue_indirect_dma source(%dma_start3A_95 : memref<10000x128xf32, #tpu.memory_space<hbm>>) target(%dma_start3A_89 : memref<128x128xf32, #tpu.memory_space<vmem>>) offsets(%dma_start3A_92 : memref<128xi32, #tpu.memory_space<vmem>>) semaphore(%arg9 : memref<!tpu.dma_semaphore, #tpu.memory_space<semaphore_mem>>)
      %mul3A_96 = arith.constant 2 : i32
      %mul3A_97 = arith.muli %add3A_82, %mul3A_96 : i32
      %add3A_98 = arith.constant 1 : i32
      %add3A_99 = arith.addi %mul3A_97, %add3A_98 : i32
      %dma_start3A_100 = arith.constant 128 : i32
      %dma_start3A_101 = arith.constant 0 : i32
      %dma_start3A_102 = tpu.memref_slice %arg7[%dma_start3A_100, %dma_start3A_101] : memref<256x128xf32, #tpu.memory_space<vmem>> -> memref<128x128xf32, #tpu.memory_space<vmem>>
      %dma_start3A_103 = arith.constant 0 : i32
      %dma_start3A_104 = tpu.memref_slice %arg5[%add3A_99, %dma_start3A_103] : memref<160x128xi32, #tpu.memory_space<vmem>> -> memref<1x128xi32, #tpu.memory_space<vmem>>
      %dma_start3A_105 = tpu.memref_squeeze %dma_start3A_104 : memref<1x128xi32, #tpu.memory_space<vmem>> -> memref<128xi32, #tpu.memory_space<vmem>>
      %dma_start3A_106 = arith.constant 0 : i32
      %dma_start3A_107 = arith.constant 0 : i32
      %dma_start3A_108 = tpu.memref_slice %arg2[%dma_start3A_106, %dma_start3A_107] : memref<10000x128xf32, #tpu.memory_space<hbm>> -> memref<10000x128xf32, #tpu.memory_space<hbm>>
      tpu.enqueue_indirect_dma source(%dma_start3A_108 : memref<10000x128xf32, #tpu.memory_space<hbm>>) target(%dma_start3A_102 : memref<128x128xf32, #tpu.memory_space<vmem>>) offsets(%dma_start3A_105 : memref<128xi32, #tpu.memory_space<vmem>>) semaphore(%arg9 : memref<!tpu.dma_semaphore, #tpu.memory_space<semaphore_mem>>)
      %dma_wait3A_109 = arith.constant 0 : i32
      %dma_wait3A_110 = arith.constant 0 : i32
      %dma_wait3A_111 = arith.constant 0 : i32
      %dma_wait3A_112 = tpu.memref_slice %arg6[%dma_wait3A_110, %dma_wait3A_111] : memref<256x128xf32, #tpu.memory_space<vmem>> -> memref<128x128xf32, #tpu.memory_space<vmem>>
      %dma_wait3A_113 = arith.constant 0 : i32
      %dma_wait3A_114 = tpu.memref_slice %arg5[%dma_wait3A_109, %dma_wait3A_113] : memref<160x128xi32, #tpu.memory_space<vmem>> -> memref<1x128xi32, #tpu.memory_space<vmem>>
      %dma_wait3A_115 = tpu.memref_squeeze %dma_wait3A_114 : memref<1x128xi32, #tpu.memory_space<vmem>> -> memref<128xi32, #tpu.memory_space<vmem>>
      %dma_wait3A_116 = arith.constant 0 : i32
      %dma_wait3A_117 = arith.constant 0 : i32
      %dma_wait3A_118 = tpu.memref_slice %arg2[%dma_wait3A_116, %dma_wait3A_117] : memref<10000x128xf32, #tpu.memory_space<hbm>> -> memref<10000x128xf32, #tpu.memory_space<hbm>>
      tpu.wait_indirect_dma semaphore(%arg8 : memref<!tpu.dma_semaphore, #tpu.memory_space<semaphore_mem>>) src(%dma_wait3A_118 : memref<10000x128xf32, #tpu.memory_space<hbm>>) dst(%dma_wait3A_112 : memref<128x128xf32, #tpu.memory_space<vmem>>)
      %dma_wait3A_119 = arith.constant 0 : i32
      %dma_wait3A_120 = arith.constant 128 : i32
      %dma_wait3A_121 = arith.constant 0 : i32
      %dma_wait3A_122 = tpu.memref_slice %arg6[%dma_wait3A_120, %dma_wait3A_121] : memref<256x128xf32, #tpu.memory_space<vmem>> -> memref<128x128xf32, #tpu.memory_space<vmem>>
      %dma_wait3A_123 = arith.constant 0 : i32
      %dma_wait3A_124 = tpu.memref_slice %arg5[%dma_wait3A_119, %dma_wait3A_123] : memref<160x128xi32, #tpu.memory_space<vmem>> -> memref<1x128xi32, #tpu.memory_space<vmem>>
      %dma_wait3A_125 = tpu.memref_squeeze %dma_wait3A_124 : memref<1x128xi32, #tpu.memory_space<vmem>> -> memref<128xi32, #tpu.memory_space<vmem>>
      %dma_wait3A_126 = arith.constant 0 : i32
      %dma_wait3A_127 = arith.constant 0 : i32
      %dma_wait3A_128 = tpu.memref_slice %arg2[%dma_wait3A_126, %dma_wait3A_127] : memref<10000x128xf32, #tpu.memory_space<hbm>> -> memref<10000x128xf32, #tpu.memory_space<hbm>>
      tpu.wait_indirect_dma semaphore(%arg8 : memref<!tpu.dma_semaphore, #tpu.memory_space<semaphore_mem>>) src(%dma_wait3A_128 : memref<10000x128xf32, #tpu.memory_space<hbm>>) dst(%dma_wait3A_122 : memref<128x128xf32, #tpu.memory_space<vmem>>)
      %mul3A_129 = arith.constant 2 : i32
      %mul3A_130 = arith.muli %mul3A_80, %mul3A_129 : i32
      %add3A_131 = arith.addi %mul3A_9, %mul3A_130 : i32
      %add3A_132 = arith.constant 0 : i32
      %add3A_133 = arith.addi %add3A_131, %add3A_132 : i32
      %ge3A_134 = arith.constant 2500 : i32
      %ge3A_135 = arith.cmpi sge, %add3A_133, %ge3A_134 : i32
      %convert_element_type3A = arith.extui %ge3A_135 : i1 to i32
      %mul3A_136 = arith.constant 2500 : i32
      %mul3A_137 = arith.muli %convert_element_type3A, %mul3A_136 : i32
      %sub3A_138 = arith.subi %add3A_133, %mul3A_137 : i32
      %jit3A_139 = arith.constant 10 : i32
      %div3A_140 = arith.divsi %sub3A_138, %jit3A_139 : i32
      %sign3A_141 = arith.constant 0 : i32
      %sign3A_142 = arith.cmpi sgt, %sub3A_138, %sign3A_141 : i32
      %sign3A_143 = arith.extui %sign3A_142 : i1 to i32
      %sign3A_144 = arith.constant 0 : i32
      %sign3A_145 = arith.cmpi slt, %sub3A_138, %sign3A_144 : i32
      %sign3A_146 = arith.extui %sign3A_145 : i1 to i32
      %sign3A_147 = arith.subi %sign3A_143, %sign3A_146 : i32
      %sign3A_148 = arith.constant 0 : i32
      %sign3A_149 = arith.cmpi sgt, %jit3A_139, %sign3A_148 : i32
      %sign3A_150 = arith.extui %sign3A_149 : i1 to i32
      %sign3A_151 = arith.constant 0 : i32
      %sign3A_152 = arith.cmpi slt, %jit3A_139, %sign3A_151 : i32
      %sign3A_153 = arith.extui %sign3A_152 : i1 to i32
      %sign3A_154 = arith.subi %sign3A_150, %sign3A_153 : i32
      %ne3A_155 = arith.cmpi ne, %sign3A_147, %sign3A_154 : i32
      %rem3A_156 = arith.remsi %sub3A_138, %jit3A_139 : i32
      %ne3A_157 = arith.constant 0 : i32
      %ne3A_158 = arith.cmpi ne, %rem3A_156, %ne3A_157 : i32
      %and3A_159 = arith.andi %ne3A_155, %ne3A_158 : i1
      %sub3A_160 = arith.constant 1 : i32
      %sub3A_161 = arith.subi %div3A_140, %sub3A_160 : i32
      %select_n3A_162 = arith.select %and3A_159, %sub3A_161, %div3A_140 : i32
      %jit3A_163 = arith.constant 10 : i32
      %eq3A = arith.constant 0 : i32
      %eq3A_164 = arith.cmpi eq, %jit3A_163, %eq3A : i32
      %jit3A_165 = arith.constant 1 : i32
      %select_n3A_166 = arith.select %eq3A_164, %jit3A_165, %jit3A_163 : i32
      %rem3A_167 = arith.remsi %sub3A_138, %select_n3A_166 : i32
      %ne3A_168 = arith.constant 0 : i32
      %ne3A_169 = arith.cmpi ne, %rem3A_167, %ne3A_168 : i32
      %lt3A = arith.constant 0 : i32
      %lt3A_170 = arith.cmpi slt, %rem3A_167, %lt3A : i32
      %lt3A_171 = arith.constant 0 : i32
      %lt3A_172 = arith.cmpi slt, %select_n3A_166, %lt3A_171 : i32
      %ne3A_173 = arith.xori %lt3A_170, %lt3A_172 : i1
      %and3A_174 = arith.andi %ne3A_173, %ne3A_169 : i1
      %add3A_175 = arith.addi %rem3A_167, %select_n3A_166 : i32
      %select_n3A_176 = arith.select %and3A_174, %add3A_175, %rem3A_167 : i32
      %mul3A_177 = arith.constant 2560 : i32
      %mul3A_178 = arith.muli %select_n3A_162, %mul3A_177 : i32
      %mul3A_179 = arith.constant 1280 : i32
      %mul3A_180 = arith.muli %convert_element_type3A, %mul3A_179 : i32
      %add3A_181 = arith.addi %mul3A_178, %mul3A_180 : i32
      %mul3A_182 = arith.constant 128 : i32
      %mul3A_183 = arith.muli %select_n3A_176, %mul3A_182 : i32
      %add3A_184 = arith.addi %add3A_181, %mul3A_183 : i32
      "tpu.region"() ({
        %run_scoped3A = tpu.sem_alloc : memref<!tpu.dma_semaphore, #tpu.memory_space<semaphore_mem>>
        %dma_start3A_412 = arith.constant 0 : i32
        %dma_start3A_413 = arith.constant 0 : i32
        %dma_start3A_414 = tpu.memref_slice %arg6[%dma_start3A_412, %dma_start3A_413] : memref<256x128xf32, #tpu.memory_space<vmem>> -> memref<128x128xf32, #tpu.memory_space<vmem>>
        %dma_start3A_415 = arith.constant 0 : i32
        %dma_start3A_416 = tpu.memref_slice %arg4[%add3A_184, %dma_start3A_415] : memref<640000x128xf32, #tpu.memory_space<hbm>> -> memref<128x128xf32, #tpu.memory_space<hbm>>
        %dma_start3A_417 = arith.constant 0 : i32
        %dma_start3A_418 = tpu.memref_slice %arg4[%add3A_184, %dma_start3A_417] : memref<640000x128xf32, #tpu.memory_space<hbm>> -> memref<128x128xf32, #tpu.memory_space<hbm>>
        %dma_start3A_419 = arith.constant 0 : i32
        %dma_start3A_420 = arith.constant 0 : i32
        %dma_start3A_421 = tpu.memref_slice %arg6[%dma_start3A_419, %dma_start3A_420] : memref<256x128xf32, #tpu.memory_space<vmem>> -> memref<128x128xf32, #tpu.memory_space<vmem>>
        tpu.enqueue_dma source(%dma_start3A_421 : memref<128x128xf32, #tpu.memory_space<vmem>>) target(%dma_start3A_418 : memref<128x128xf32, #tpu.memory_space<hbm>>) target_semaphore(%run_scoped3A : memref<!tpu.dma_semaphore, #tpu.memory_space<semaphore_mem>>)
        %dma_wait3A_422 = arith.constant 0 : i32
        %dma_wait3A_423 = arith.constant 0 : i32
        %dma_wait3A_424 = tpu.memref_slice %arg6[%dma_wait3A_422, %dma_wait3A_423] : memref<256x128xf32, #tpu.memory_space<vmem>> -> memref<128x128xf32, #tpu.memory_space<vmem>>
        %dma_wait3A_425 = arith.constant 0 : i32
        %dma_wait3A_426 = tpu.memref_slice %arg4[%add3A_184, %dma_wait3A_425] : memref<640000x128xf32, #tpu.memory_space<hbm>> -> memref<128x128xf32, #tpu.memory_space<hbm>>
        %dma_wait3A_427 = arith.constant 0 : i32
        %dma_wait3A_428 = tpu.memref_slice %arg4[%add3A_184, %dma_wait3A_427] : memref<640000x128xf32, #tpu.memory_space<hbm>> -> memref<128x128xf32, #tpu.memory_space<hbm>>
        %dma_wait3A_429 = arith.constant 0 : i32
        %dma_wait3A_430 = arith.constant 0 : i32
        %dma_wait3A_431 = tpu.memref_slice %arg6[%dma_wait3A_429, %dma_wait3A_430] : memref<256x128xf32, #tpu.memory_space<vmem>> -> memref<128x128xf32, #tpu.memory_space<vmem>>
        tpu.wait_dma2 semaphore(%run_scoped3A : memref<!tpu.dma_semaphore, #tpu.memory_space<semaphore_mem>>) src(%dma_wait3A_431 : memref<128x128xf32, #tpu.memory_space<vmem>>) dst(%dma_wait3A_428 : memref<128x128xf32, #tpu.memory_space<hbm>>)
        tpu.yield
      }) : () -> ()
      %mul3A_185 = arith.constant 2 : i32
      %mul3A_186 = arith.muli %mul3A_80, %mul3A_185 : i32
      %add3A_187 = arith.addi %mul3A_9, %mul3A_186 : i32
      %add3A_188 = arith.constant 1 : i32
      %add3A_189 = arith.addi %add3A_187, %add3A_188 : i32
      %ge3A_190 = arith.constant 2500 : i32
      %ge3A_191 = arith.cmpi sge, %add3A_189, %ge3A_190 : i32
      %convert_element_type3A_192 = arith.extui %ge3A_191 : i1 to i32
      %mul3A_193 = arith.constant 2500 : i32
      %mul3A_194 = arith.muli %convert_element_type3A_192, %mul3A_193 : i32
      %sub3A_195 = arith.subi %add3A_189, %mul3A_194 : i32
      %jit3A_196 = arith.constant 10 : i32
      %div3A_197 = arith.divsi %sub3A_195, %jit3A_196 : i32
      %sign3A_198 = arith.constant 0 : i32
      %sign3A_199 = arith.cmpi sgt, %sub3A_195, %sign3A_198 : i32
      %sign3A_200 = arith.extui %sign3A_199 : i1 to i32
      %sign3A_201 = arith.constant 0 : i32
      %sign3A_202 = arith.cmpi slt, %sub3A_195, %sign3A_201 : i32
      %sign3A_203 = arith.extui %sign3A_202 : i1 to i32
      %sign3A_204 = arith.subi %sign3A_200, %sign3A_203 : i32
      %sign3A_205 = arith.constant 0 : i32
      %sign3A_206 = arith.cmpi sgt, %jit3A_196, %sign3A_205 : i32
      %sign3A_207 = arith.extui %sign3A_206 : i1 to i32
      %sign3A_208 = arith.constant 0 : i32
      %sign3A_209 = arith.cmpi slt, %jit3A_196, %sign3A_208 : i32
      %sign3A_210 = arith.extui %sign3A_209 : i1 to i32
      %sign3A_211 = arith.subi %sign3A_207, %sign3A_210 : i32
      %ne3A_212 = arith.cmpi ne, %sign3A_204, %sign3A_211 : i32
      %rem3A_213 = arith.remsi %sub3A_195, %jit3A_196 : i32
      %ne3A_214 = arith.constant 0 : i32
      %ne3A_215 = arith.cmpi ne, %rem3A_213, %ne3A_214 : i32
      %and3A_216 = arith.andi %ne3A_212, %ne3A_215 : i1
      %sub3A_217 = arith.constant 1 : i32
      %sub3A_218 = arith.subi %div3A_197, %sub3A_217 : i32
      %select_n3A_219 = arith.select %and3A_216, %sub3A_218, %div3A_197 : i32
      %jit3A_220 = arith.constant 10 : i32
      %eq3A_221 = arith.constant 0 : i32
      %eq3A_222 = arith.cmpi eq, %jit3A_220, %eq3A_221 : i32
      %jit3A_223 = arith.constant 1 : i32
      %select_n3A_224 = arith.select %eq3A_222, %jit3A_223, %jit3A_220 : i32
      %rem3A_225 = arith.remsi %sub3A_195, %select_n3A_224 : i32
      %ne3A_226 = arith.constant 0 : i32
      %ne3A_227 = arith.cmpi ne, %rem3A_225, %ne3A_226 : i32
      %lt3A_228 = arith.constant 0 : i32
      %lt3A_229 = arith.cmpi slt, %rem3A_225, %lt3A_228 : i32
      %lt3A_230 = arith.constant 0 : i32
      %lt3A_231 = arith.cmpi slt, %select_n3A_224, %lt3A_230 : i32
      %ne3A_232 = arith.xori %lt3A_229, %lt3A_231 : i1
      %and3A_233 = arith.andi %ne3A_232, %ne3A_227 : i1
      %add3A_234 = arith.addi %rem3A_225, %select_n3A_224 : i32
      %select_n3A_235 = arith.select %and3A_233, %add3A_234, %rem3A_225 : i32
      %mul3A_236 = arith.constant 2560 : i32
      %mul3A_237 = arith.muli %select_n3A_219, %mul3A_236 : i32
      %mul3A_238 = arith.constant 1280 : i32
      %mul3A_239 = arith.muli %convert_element_type3A_192, %mul3A_238 : i32
      %add3A_240 = arith.addi %mul3A_237, %mul3A_239 : i32
      %mul3A_241 = arith.constant 128 : i32
      %mul3A_242 = arith.muli %select_n3A_235, %mul3A_241 : i32
      %add3A_243 = arith.addi %add3A_240, %mul3A_242 : i32
      "tpu.region"() ({
        %run_scoped3A = tpu.sem_alloc : memref<!tpu.dma_semaphore, #tpu.memory_space<semaphore_mem>>
        %dma_start3A_412 = arith.constant 128 : i32
        %dma_start3A_413 = arith.constant 0 : i32
        %dma_start3A_414 = tpu.memref_slice %arg6[%dma_start3A_412, %dma_start3A_413] : memref<256x128xf32, #tpu.memory_space<vmem>> -> memref<128x128xf32, #tpu.memory_space<vmem>>
        %dma_start3A_415 = arith.constant 0 : i32
        %dma_start3A_416 = tpu.memref_slice %arg4[%add3A_243, %dma_start3A_415] : memref<640000x128xf32, #tpu.memory_space<hbm>> -> memref<128x128xf32, #tpu.memory_space<hbm>>
        %dma_start3A_417 = arith.constant 0 : i32
        %dma_start3A_418 = tpu.memref_slice %arg4[%add3A_243, %dma_start3A_417] : memref<640000x128xf32, #tpu.memory_space<hbm>> -> memref<128x128xf32, #tpu.memory_space<hbm>>
        %dma_start3A_419 = arith.constant 128 : i32
        %dma_start3A_420 = arith.constant 0 : i32
        %dma_start3A_421 = tpu.memref_slice %arg6[%dma_start3A_419, %dma_start3A_420] : memref<256x128xf32, #tpu.memory_space<vmem>> -> memref<128x128xf32, #tpu.memory_space<vmem>>
        tpu.enqueue_dma source(%dma_start3A_421 : memref<128x128xf32, #tpu.memory_space<vmem>>) target(%dma_start3A_418 : memref<128x128xf32, #tpu.memory_space<hbm>>) target_semaphore(%run_scoped3A : memref<!tpu.dma_semaphore, #tpu.memory_space<semaphore_mem>>)
        %dma_wait3A_422 = arith.constant 128 : i32
        %dma_wait3A_423 = arith.constant 0 : i32
        %dma_wait3A_424 = tpu.memref_slice %arg6[%dma_wait3A_422, %dma_wait3A_423] : memref<256x128xf32, #tpu.memory_space<vmem>> -> memref<128x128xf32, #tpu.memory_space<vmem>>
        %dma_wait3A_425 = arith.constant 0 : i32
        %dma_wait3A_426 = tpu.memref_slice %arg4[%add3A_243, %dma_wait3A_425] : memref<640000x128xf32, #tpu.memory_space<hbm>> -> memref<128x128xf32, #tpu.memory_space<hbm>>
        %dma_wait3A_427 = arith.constant 0 : i32
        %dma_wait3A_428 = tpu.memref_slice %arg4[%add3A_243, %dma_wait3A_427] : memref<640000x128xf32, #tpu.memory_space<hbm>> -> memref<128x128xf32, #tpu.memory_space<hbm>>
        %dma_wait3A_429 = arith.constant 128 : i32
        %dma_wait3A_430 = arith.constant 0 : i32
        %dma_wait3A_431 = tpu.memref_slice %arg6[%dma_wait3A_429, %dma_wait3A_430] : memref<256x128xf32, #tpu.memory_space<vmem>> -> memref<128x128xf32, #tpu.memory_space<vmem>>
        tpu.wait_dma2 semaphore(%run_scoped3A : memref<!tpu.dma_semaphore, #tpu.memory_space<semaphore_mem>>) src(%dma_wait3A_431 : memref<128x128xf32, #tpu.memory_space<vmem>>) dst(%dma_wait3A_428 : memref<128x128xf32, #tpu.memory_space<hbm>>)
        tpu.yield
      }) : () -> ()
      %add3A_244 = arith.constant 2 : i32
      %add3A_245 = arith.addi %mul3A_80, %add3A_244 : i32
      %sub3A_246 = arith.constant 1 : i32
      %sub3A_247 = arith.subi %mul3A_11, %sub3A_246 : i32
      %min3A = arith.minsi %add3A_245, %sub3A_247 : i32
      %mul3A_248 = arith.constant 2 : i32
      %mul3A_249 = arith.muli %min3A, %mul3A_248 : i32
      %add3A_250 = arith.constant 0 : i32
      %add3A_251 = arith.addi %mul3A_249, %add3A_250 : i32
      %dma_start3A_252 = arith.constant 0 : i32
      %dma_start3A_253 = arith.constant 0 : i32
      %dma_start3A_254 = tpu.memref_slice %arg6[%dma_start3A_252, %dma_start3A_253] : memref<256x128xf32, #tpu.memory_space<vmem>> -> memref<128x128xf32, #tpu.memory_space<vmem>>
      %dma_start3A_255 = arith.constant 0 : i32
      %dma_start3A_256 = tpu.memref_slice %arg5[%add3A_251, %dma_start3A_255] : memref<160x128xi32, #tpu.memory_space<vmem>> -> memref<1x128xi32, #tpu.memory_space<vmem>>
      %dma_start3A_257 = tpu.memref_squeeze %dma_start3A_256 : memref<1x128xi32, #tpu.memory_space<vmem>> -> memref<128xi32, #tpu.memory_space<vmem>>
      %dma_start3A_258 = arith.constant 0 : i32
      %dma_start3A_259 = arith.constant 0 : i32
      %dma_start3A_260 = tpu.memref_slice %arg2[%dma_start3A_258, %dma_start3A_259] : memref<10000x128xf32, #tpu.memory_space<hbm>> -> memref<10000x128xf32, #tpu.memory_space<hbm>>
      tpu.enqueue_indirect_dma source(%dma_start3A_260 : memref<10000x128xf32, #tpu.memory_space<hbm>>) target(%dma_start3A_254 : memref<128x128xf32, #tpu.memory_space<vmem>>) offsets(%dma_start3A_257 : memref<128xi32, #tpu.memory_space<vmem>>) semaphore(%arg8 : memref<!tpu.dma_semaphore, #tpu.memory_space<semaphore_mem>>)
      %mul3A_261 = arith.constant 2 : i32
      %mul3A_262 = arith.muli %min3A, %mul3A_261 : i32
      %add3A_263 = arith.constant 1 : i32
      %add3A_264 = arith.addi %mul3A_262, %add3A_263 : i32
      %dma_start3A_265 = arith.constant 128 : i32
      %dma_start3A_266 = arith.constant 0 : i32
      %dma_start3A_267 = tpu.memref_slice %arg6[%dma_start3A_265, %dma_start3A_266] : memref<256x128xf32, #tpu.memory_space<vmem>> -> memref<128x128xf32, #tpu.memory_space<vmem>>
      %dma_start3A_268 = arith.constant 0 : i32
      %dma_start3A_269 = tpu.memref_slice %arg5[%add3A_264, %dma_start3A_268] : memref<160x128xi32, #tpu.memory_space<vmem>> -> memref<1x128xi32, #tpu.memory_space<vmem>>
      %dma_start3A_270 = tpu.memref_squeeze %dma_start3A_269 : memref<1x128xi32, #tpu.memory_space<vmem>> -> memref<128xi32, #tpu.memory_space<vmem>>
      %dma_start3A_271 = arith.constant 0 : i32
      %dma_start3A_272 = arith.constant 0 : i32
      %dma_start3A_273 = tpu.memref_slice %arg2[%dma_start3A_271, %dma_start3A_272] : memref<10000x128xf32, #tpu.memory_space<hbm>> -> memref<10000x128xf32, #tpu.memory_space<hbm>>
      tpu.enqueue_indirect_dma source(%dma_start3A_273 : memref<10000x128xf32, #tpu.memory_space<hbm>>) target(%dma_start3A_267 : memref<128x128xf32, #tpu.memory_space<vmem>>) offsets(%dma_start3A_270 : memref<128xi32, #tpu.memory_space<vmem>>) semaphore(%arg8 : memref<!tpu.dma_semaphore, #tpu.memory_space<semaphore_mem>>)
      %dma_wait3A_274 = arith.constant 0 : i32
      %dma_wait3A_275 = arith.constant 0 : i32
      %dma_wait3A_276 = tpu.memref_slice %arg7[%dma_wait3A_274, %dma_wait3A_275] : memref<256x128xf32, #tpu.memory_space<vmem>> -> memref<128x128xf32, #tpu.memory_space<vmem>>
      %dma_wait3A_277 = arith.constant 0 : i32
      %dma_wait3A_278 = tpu.memref_slice %arg5[%add3A_86, %dma_wait3A_277] : memref<160x128xi32, #tpu.memory_space<vmem>> -> memref<1x128xi32, #tpu.memory_space<vmem>>
      %dma_wait3A_279 = tpu.memref_squeeze %dma_wait3A_278 : memref<1x128xi32, #tpu.memory_space<vmem>> -> memref<128xi32, #tpu.memory_space<vmem>>
      %dma_wait3A_280 = arith.constant 0 : i32
      %dma_wait3A_281 = arith.constant 0 : i32
      %dma_wait3A_282 = tpu.memref_slice %arg2[%dma_wait3A_280, %dma_wait3A_281] : memref<10000x128xf32, #tpu.memory_space<hbm>> -> memref<10000x128xf32, #tpu.memory_space<hbm>>
      tpu.wait_indirect_dma semaphore(%arg9 : memref<!tpu.dma_semaphore, #tpu.memory_space<semaphore_mem>>) src(%dma_wait3A_282 : memref<10000x128xf32, #tpu.memory_space<hbm>>) dst(%dma_wait3A_276 : memref<128x128xf32, #tpu.memory_space<vmem>>)
      %dma_wait3A_283 = arith.constant 128 : i32
      %dma_wait3A_284 = arith.constant 0 : i32
      %dma_wait3A_285 = tpu.memref_slice %arg7[%dma_wait3A_283, %dma_wait3A_284] : memref<256x128xf32, #tpu.memory_space<vmem>> -> memref<128x128xf32, #tpu.memory_space<vmem>>
      %dma_wait3A_286 = arith.constant 0 : i32
      %dma_wait3A_287 = tpu.memref_slice %arg5[%add3A_99, %dma_wait3A_286] : memref<160x128xi32, #tpu.memory_space<vmem>> -> memref<1x128xi32, #tpu.memory_space<vmem>>
      %dma_wait3A_288 = tpu.memref_squeeze %dma_wait3A_287 : memref<1x128xi32, #tpu.memory_space<vmem>> -> memref<128xi32, #tpu.memory_space<vmem>>
      %dma_wait3A_289 = arith.constant 0 : i32
      %dma_wait3A_290 = arith.constant 0 : i32
      %dma_wait3A_291 = tpu.memref_slice %arg2[%dma_wait3A_289, %dma_wait3A_290] : memref<10000x128xf32, #tpu.memory_space<hbm>> -> memref<10000x128xf32, #tpu.memory_space<hbm>>
      tpu.wait_indirect_dma semaphore(%arg9 : memref<!tpu.dma_semaphore, #tpu.memory_space<semaphore_mem>>) src(%dma_wait3A_291 : memref<10000x128xf32, #tpu.memory_space<hbm>>) dst(%dma_wait3A_285 : memref<128x128xf32, #tpu.memory_space<vmem>>)
      %add3A_292 = arith.constant 1 : i32
      %add3A_293 = arith.addi %mul3A_80, %add3A_292 : i32
      %mul3A_294 = arith.constant 2 : i32
      %mul3A_295 = arith.muli %add3A_293, %mul3A_294 : i32
      %add3A_296 = arith.addi %mul3A_9, %mul3A_295 : i32
      %add3A_297 = arith.constant 0 : i32
      %add3A_298 = arith.addi %add3A_296, %add3A_297 : i32
      %ge3A_299 = arith.constant 2500 : i32
      %ge3A_300 = arith.cmpi sge, %add3A_298, %ge3A_299 : i32
      %convert_element_type3A_301 = arith.extui %ge3A_300 : i1 to i32
      %mul3A_302 = arith.constant 2500 : i32
      %mul3A_303 = arith.muli %convert_element_type3A_301, %mul3A_302 : i32
      %sub3A_304 = arith.subi %add3A_298, %mul3A_303 : i32
      %jit3A_305 = arith.constant 10 : i32
      %div3A_306 = arith.divsi %sub3A_304, %jit3A_305 : i32
      %sign3A_307 = arith.constant 0 : i32
      %sign3A_308 = arith.cmpi sgt, %sub3A_304, %sign3A_307 : i32
      %sign3A_309 = arith.extui %sign3A_308 : i1 to i32
      %sign3A_310 = arith.constant 0 : i32
      %sign3A_311 = arith.cmpi slt, %sub3A_304, %sign3A_310 : i32
      %sign3A_312 = arith.extui %sign3A_311 : i1 to i32
      %sign3A_313 = arith.subi %sign3A_309, %sign3A_312 : i32
      %sign3A_314 = arith.constant 0 : i32
      %sign3A_315 = arith.cmpi sgt, %jit3A_305, %sign3A_314 : i32
      %sign3A_316 = arith.extui %sign3A_315 : i1 to i32
      %sign3A_317 = arith.constant 0 : i32
      %sign3A_318 = arith.cmpi slt, %jit3A_305, %sign3A_317 : i32
      %sign3A_319 = arith.extui %sign3A_318 : i1 to i32
      %sign3A_320 = arith.subi %sign3A_316, %sign3A_319 : i32
      %ne3A_321 = arith.cmpi ne, %sign3A_313, %sign3A_320 : i32
      %rem3A_322 = arith.remsi %sub3A_304, %jit3A_305 : i32
      %ne3A_323 = arith.constant 0 : i32
      %ne3A_324 = arith.cmpi ne, %rem3A_322, %ne3A_323 : i32
      %and3A_325 = arith.andi %ne3A_321, %ne3A_324 : i1
      %sub3A_326 = arith.constant 1 : i32
      %sub3A_327 = arith.subi %div3A_306, %sub3A_326 : i32
      %select_n3A_328 = arith.select %and3A_325, %sub3A_327, %div3A_306 : i32
      %jit3A_329 = arith.constant 10 : i32
      %eq3A_330 = arith.constant 0 : i32
      %eq3A_331 = arith.cmpi eq, %jit3A_329, %eq3A_330 : i32
      %jit3A_332 = arith.constant 1 : i32
      %select_n3A_333 = arith.select %eq3A_331, %jit3A_332, %jit3A_329 : i32
      %rem3A_334 = arith.remsi %sub3A_304, %select_n3A_333 : i32
      %ne3A_335 = arith.constant 0 : i32
      %ne3A_336 = arith.cmpi ne, %rem3A_334, %ne3A_335 : i32
      %lt3A_337 = arith.constant 0 : i32
      %lt3A_338 = arith.cmpi slt, %rem3A_334, %lt3A_337 : i32
      %lt3A_339 = arith.constant 0 : i32
      %lt3A_340 = arith.cmpi slt, %select_n3A_333, %lt3A_339 : i32
      %ne3A_341 = arith.xori %lt3A_338, %lt3A_340 : i1
      %and3A_342 = arith.andi %ne3A_341, %ne3A_336 : i1
      %add3A_343 = arith.addi %rem3A_334, %select_n3A_333 : i32
      %select_n3A_344 = arith.select %and3A_342, %add3A_343, %rem3A_334 : i32
      %mul3A_345 = arith.constant 2560 : i32
      %mul3A_346 = arith.muli %select_n3A_328, %mul3A_345 : i32
      %mul3A_347 = arith.constant 1280 : i32
      %mul3A_348 = arith.muli %convert_element_type3A_301, %mul3A_347 : i32
      %add3A_349 = arith.addi %mul3A_346, %mul3A_348 : i32
      %mul3A_350 = arith.constant 128 : i32
      %mul3A_351 = arith.muli %select_n3A_344, %mul3A_350 : i32
      %add3A_352 = arith.addi %add3A_349, %mul3A_351 : i32
      "tpu.region"() ({
        %run_scoped3A = tpu.sem_alloc : memref<!tpu.dma_semaphore, #tpu.memory_space<semaphore_mem>>
        %dma_start3A_412 = arith.constant 0 : i32
        %dma_start3A_413 = arith.constant 0 : i32
        %dma_start3A_414 = tpu.memref_slice %arg7[%dma_start3A_412, %dma_start3A_413] : memref<256x128xf32, #tpu.memory_space<vmem>> -> memref<128x128xf32, #tpu.memory_space<vmem>>
        %dma_start3A_415 = arith.constant 0 : i32
        %dma_start3A_416 = tpu.memref_slice %arg4[%add3A_352, %dma_start3A_415] : memref<640000x128xf32, #tpu.memory_space<hbm>> -> memref<128x128xf32, #tpu.memory_space<hbm>>
        %dma_start3A_417 = arith.constant 0 : i32
        %dma_start3A_418 = tpu.memref_slice %arg4[%add3A_352, %dma_start3A_417] : memref<640000x128xf32, #tpu.memory_space<hbm>> -> memref<128x128xf32, #tpu.memory_space<hbm>>
        %dma_start3A_419 = arith.constant 0 : i32
        %dma_start3A_420 = arith.constant 0 : i32
        %dma_start3A_421 = tpu.memref_slice %arg7[%dma_start3A_419, %dma_start3A_420] : memref<256x128xf32, #tpu.memory_space<vmem>> -> memref<128x128xf32, #tpu.memory_space<vmem>>
        tpu.enqueue_dma source(%dma_start3A_421 : memref<128x128xf32, #tpu.memory_space<vmem>>) target(%dma_start3A_418 : memref<128x128xf32, #tpu.memory_space<hbm>>) target_semaphore(%run_scoped3A : memref<!tpu.dma_semaphore, #tpu.memory_space<semaphore_mem>>)
        %dma_wait3A_422 = arith.constant 0 : i32
        %dma_wait3A_423 = arith.constant 0 : i32
        %dma_wait3A_424 = tpu.memref_slice %arg7[%dma_wait3A_422, %dma_wait3A_423] : memref<256x128xf32, #tpu.memory_space<vmem>> -> memref<128x128xf32, #tpu.memory_space<vmem>>
        %dma_wait3A_425 = arith.constant 0 : i32
        %dma_wait3A_426 = tpu.memref_slice %arg4[%add3A_352, %dma_wait3A_425] : memref<640000x128xf32, #tpu.memory_space<hbm>> -> memref<128x128xf32, #tpu.memory_space<hbm>>
        %dma_wait3A_427 = arith.constant 0 : i32
        %dma_wait3A_428 = tpu.memref_slice %arg4[%add3A_352, %dma_wait3A_427] : memref<640000x128xf32, #tpu.memory_space<hbm>> -> memref<128x128xf32, #tpu.memory_space<hbm>>
        %dma_wait3A_429 = arith.constant 0 : i32
        %dma_wait3A_430 = arith.constant 0 : i32
        %dma_wait3A_431 = tpu.memref_slice %arg7[%dma_wait3A_429, %dma_wait3A_430] : memref<256x128xf32, #tpu.memory_space<vmem>> -> memref<128x128xf32, #tpu.memory_space<vmem>>
        tpu.wait_dma2 semaphore(%run_scoped3A : memref<!tpu.dma_semaphore, #tpu.memory_space<semaphore_mem>>) src(%dma_wait3A_431 : memref<128x128xf32, #tpu.memory_space<vmem>>) dst(%dma_wait3A_428 : memref<128x128xf32, #tpu.memory_space<hbm>>)
        tpu.yield
      }) : () -> ()
      %mul3A_353 = arith.constant 2 : i32
      %mul3A_354 = arith.muli %add3A_293, %mul3A_353 : i32
      %add3A_355 = arith.addi %mul3A_9, %mul3A_354 : i32
      %add3A_356 = arith.constant 1 : i32
      %add3A_357 = arith.addi %add3A_355, %add3A_356 : i32
      %ge3A_358 = arith.constant 2500 : i32
      %ge3A_359 = arith.cmpi sge, %add3A_357, %ge3A_358 : i32
      %convert_element_type3A_360 = arith.extui %ge3A_359 : i1 to i32
      %mul3A_361 = arith.constant 2500 : i32
      %mul3A_362 = arith.muli %convert_element_type3A_360, %mul3A_361 : i32
      %sub3A_363 = arith.subi %add3A_357, %mul3A_362 : i32
      %jit3A_364 = arith.constant 10 : i32
      %div3A_365 = arith.divsi %sub3A_363, %jit3A_364 : i32
      %sign3A_366 = arith.constant 0 : i32
      %sign3A_367 = arith.cmpi sgt, %sub3A_363, %sign3A_366 : i32
      %sign3A_368 = arith.extui %sign3A_367 : i1 to i32
      %sign3A_369 = arith.constant 0 : i32
      %sign3A_370 = arith.cmpi slt, %sub3A_363, %sign3A_369 : i32
      %sign3A_371 = arith.extui %sign3A_370 : i1 to i32
      %sign3A_372 = arith.subi %sign3A_368, %sign3A_371 : i32
      %sign3A_373 = arith.constant 0 : i32
      %sign3A_374 = arith.cmpi sgt, %jit3A_364, %sign3A_373 : i32
      %sign3A_375 = arith.extui %sign3A_374 : i1 to i32
      %sign3A_376 = arith.constant 0 : i32
      %sign3A_377 = arith.cmpi slt, %jit3A_364, %sign3A_376 : i32
      %sign3A_378 = arith.extui %sign3A_377 : i1 to i32
      %sign3A_379 = arith.subi %sign3A_375, %sign3A_378 : i32
      %ne3A_380 = arith.cmpi ne, %sign3A_372, %sign3A_379 : i32
      %rem3A_381 = arith.remsi %sub3A_363, %jit3A_364 : i32
      %ne3A_382 = arith.constant 0 : i32
      %ne3A_383 = arith.cmpi ne, %rem3A_381, %ne3A_382 : i32
      %and3A_384 = arith.andi %ne3A_380, %ne3A_383 : i1
      %sub3A_385 = arith.constant 1 : i32
      %sub3A_386 = arith.subi %div3A_365, %sub3A_385 : i32
      %select_n3A_387 = arith.select %and3A_384, %sub3A_386, %div3A_365 : i32
      %jit3A_388 = arith.constant 10 : i32
      %eq3A_389 = arith.constant 0 : i32
      %eq3A_390 = arith.cmpi eq, %jit3A_388, %eq3A_389 : i32
      %jit3A_391 = arith.constant 1 : i32
      %select_n3A_392 = arith.select %eq3A_390, %jit3A_391, %jit3A_388 : i32
      %rem3A_393 = arith.remsi %sub3A_363, %select_n3A_392 : i32
      %ne3A_394 = arith.constant 0 : i32
      %ne3A_395 = arith.cmpi ne, %rem3A_393, %ne3A_394 : i32
      %lt3A_396 = arith.constant 0 : i32
      %lt3A_397 = arith.cmpi slt, %rem3A_393, %lt3A_396 : i32
      %lt3A_398 = arith.constant 0 : i32
      %lt3A_399 = arith.cmpi slt, %select_n3A_392, %lt3A_398 : i32
      %ne3A_400 = arith.xori %lt3A_397, %lt3A_399 : i1
      %and3A_401 = arith.andi %ne3A_400, %ne3A_395 : i1
      %add3A_402 = arith.addi %rem3A_393, %select_n3A_392 : i32
      %select_n3A_403 = arith.select %and3A_401, %add3A_402, %rem3A_393 : i32
      %mul3A_404 = arith.constant 2560 : i32
      %mul3A_405 = arith.muli %select_n3A_387, %mul3A_404 : i32
      %mul3A_406 = arith.constant 1280 : i32
      %mul3A_407 = arith.muli %convert_element_type3A_360, %mul3A_406 : i32
      %add3A_408 = arith.addi %mul3A_405, %mul3A_407 : i32
      %mul3A_409 = arith.constant 128 : i32
      %mul3A_410 = arith.muli %select_n3A_403, %mul3A_409 : i32
      %add3A_411 = arith.addi %add3A_408, %mul3A_410 : i32
      "tpu.region"() ({
        %run_scoped3A = tpu.sem_alloc : memref<!tpu.dma_semaphore, #tpu.memory_space<semaphore_mem>>
        %dma_start3A_412 = arith.constant 128 : i32
        %dma_start3A_413 = arith.constant 0 : i32
        %dma_start3A_414 = tpu.memref_slice %arg7[%dma_start3A_412, %dma_start3A_413] : memref<256x128xf32, #tpu.memory_space<vmem>> -> memref<128x128xf32, #tpu.memory_space<vmem>>
        %dma_start3A_415 = arith.constant 0 : i32
        %dma_start3A_416 = tpu.memref_slice %arg4[%add3A_411, %dma_start3A_415] : memref<640000x128xf32, #tpu.memory_space<hbm>> -> memref<128x128xf32, #tpu.memory_space<hbm>>
        %dma_start3A_417 = arith.constant 0 : i32
        %dma_start3A_418 = tpu.memref_slice %arg4[%add3A_411, %dma_start3A_417] : memref<640000x128xf32, #tpu.memory_space<hbm>> -> memref<128x128xf32, #tpu.memory_space<hbm>>
        %dma_start3A_419 = arith.constant 128 : i32
        %dma_start3A_420 = arith.constant 0 : i32
        %dma_start3A_421 = tpu.memref_slice %arg7[%dma_start3A_419, %dma_start3A_420] : memref<256x128xf32, #tpu.memory_space<vmem>> -> memref<128x128xf32, #tpu.memory_space<vmem>>
        tpu.enqueue_dma source(%dma_start3A_421 : memref<128x128xf32, #tpu.memory_space<vmem>>) target(%dma_start3A_418 : memref<128x128xf32, #tpu.memory_space<hbm>>) target_semaphore(%run_scoped3A : memref<!tpu.dma_semaphore, #tpu.memory_space<semaphore_mem>>)
        %dma_wait3A_422 = arith.constant 128 : i32
        %dma_wait3A_423 = arith.constant 0 : i32
        %dma_wait3A_424 = tpu.memref_slice %arg7[%dma_wait3A_422, %dma_wait3A_423] : memref<256x128xf32, #tpu.memory_space<vmem>> -> memref<128x128xf32, #tpu.memory_space<vmem>>
        %dma_wait3A_425 = arith.constant 0 : i32
        %dma_wait3A_426 = tpu.memref_slice %arg4[%add3A_411, %dma_wait3A_425] : memref<640000x128xf32, #tpu.memory_space<hbm>> -> memref<128x128xf32, #tpu.memory_space<hbm>>
        %dma_wait3A_427 = arith.constant 0 : i32
        %dma_wait3A_428 = tpu.memref_slice %arg4[%add3A_411, %dma_wait3A_427] : memref<640000x128xf32, #tpu.memory_space<hbm>> -> memref<128x128xf32, #tpu.memory_space<hbm>>
        %dma_wait3A_429 = arith.constant 128 : i32
        %dma_wait3A_430 = arith.constant 0 : i32
        %dma_wait3A_431 = tpu.memref_slice %arg7[%dma_wait3A_429, %dma_wait3A_430] : memref<256x128xf32, #tpu.memory_space<vmem>> -> memref<128x128xf32, #tpu.memory_space<vmem>>
        tpu.wait_dma2 semaphore(%run_scoped3A : memref<!tpu.dma_semaphore, #tpu.memory_space<semaphore_mem>>) src(%dma_wait3A_431 : memref<128x128xf32, #tpu.memory_space<vmem>>) dst(%dma_wait3A_428 : memref<128x128xf32, #tpu.memory_space<hbm>>)
        tpu.yield
      }) : () -> ()
    }
    %while3A_58 = arith.constant 1 : i32
    scf.for %while3A_78 = %while3A_56 to %while3A_52 step %while3A_58  : i32 {
      %mul3A_79 = arith.constant 2 : i32
      %mul3A_80 = arith.muli %mul3A_79, %while3A_78 : i32
      %add3A_81 = arith.constant 1 : i32
      %add3A_82 = arith.addi %mul3A_80, %add3A_81 : i32
      %mul3A_83 = arith.constant 2 : i32
      %mul3A_84 = arith.muli %add3A_82, %mul3A_83 : i32
      %add3A_85 = arith.constant 0 : i32
      %add3A_86 = arith.addi %mul3A_84, %add3A_85 : i32
      %dma_start3A_87 = arith.constant 0 : i32
      %dma_start3A_88 = arith.constant 0 : i32
      %dma_start3A_89 = tpu.memref_slice %arg7[%dma_start3A_87, %dma_start3A_88] : memref<256x128xf32, #tpu.memory_space<vmem>> -> memref<128x128xf32, #tpu.memory_space<vmem>>
      %dma_start3A_90 = arith.constant 0 : i32
      %dma_start3A_91 = tpu.memref_slice %arg5[%add3A_86, %dma_start3A_90] : memref<160x128xi32, #tpu.memory_space<vmem>> -> memref<1x128xi32, #tpu.memory_space<vmem>>
      %dma_start3A_92 = tpu.memref_squeeze %dma_start3A_91 : memref<1x128xi32, #tpu.memory_space<vmem>> -> memref<128xi32, #tpu.memory_space<vmem>>
      %dma_start3A_93 = arith.constant 0 : i32
      %dma_start3A_94 = arith.constant 0 : i32
      %dma_start3A_95 = tpu.memref_slice %arg2[%dma_start3A_93, %dma_start3A_94] : memref<10000x128xf32, #tpu.memory_space<hbm>> -> memref<10000x128xf32, #tpu.memory_space<hbm>>
      tpu.enqueue_indirect_dma source(%dma_start3A_95 : memref<10000x128xf32, #tpu.memory_space<hbm>>) target(%dma_start3A_89 : memref<128x128xf32, #tpu.memory_space<vmem>>) offsets(%dma_start3A_92 : memref<128xi32, #tpu.memory_space<vmem>>) semaphore(%arg9 : memref<!tpu.dma_semaphore, #tpu.memory_space<semaphore_mem>>)
      %mul3A_96 = arith.constant 2 : i32
      %mul3A_97 = arith.muli %add3A_82, %mul3A_96 : i32
      %add3A_98 = arith.constant 1 : i32
      %add3A_99 = arith.addi %mul3A_97, %add3A_98 : i32
      %dma_start3A_100 = arith.constant 128 : i32
      %dma_start3A_101 = arith.constant 0 : i32
      %dma_start3A_102 = tpu.memref_slice %arg7[%dma_start3A_100, %dma_start3A_101] : memref<256x128xf32, #tpu.memory_space<vmem>> -> memref<128x128xf32, #tpu.memory_space<vmem>>
      %dma_start3A_103 = arith.constant 0 : i32
      %dma_start3A_104 = tpu.memref_slice %arg5[%add3A_99, %dma_start3A_103] : memref<160x128xi32, #tpu.memory_space<vmem>> -> memref<1x128xi32, #tpu.memory_space<vmem>>
      %dma_start3A_105 = tpu.memref_squeeze %dma_start3A_104 : memref<1x128xi32, #tpu.memory_space<vmem>> -> memref<128xi32, #tpu.memory_space<vmem>>
      %dma_start3A_106 = arith.constant 0 : i32
      %dma_start3A_107 = arith.constant 0 : i32
      %dma_start3A_108 = tpu.memref_slice %arg2[%dma_start3A_106, %dma_start3A_107] : memref<10000x128xf32, #tpu.memory_space<hbm>> -> memref<10000x128xf32, #tpu.memory_space<hbm>>
      tpu.enqueue_indirect_dma source(%dma_start3A_108 : memref<10000x128xf32, #tpu.memory_space<hbm>>) target(%dma_start3A_102 : memref<128x128xf32, #tpu.memory_space<vmem>>) offsets(%dma_start3A_105 : memref<128xi32, #tpu.memory_space<vmem>>) semaphore(%arg9 : memref<!tpu.dma_semaphore, #tpu.memory_space<semaphore_mem>>)
      %dma_wait3A_109 = arith.constant 0 : i32
      %dma_wait3A_110 = arith.constant 0 : i32
      %dma_wait3A_111 = arith.constant 0 : i32
      %dma_wait3A_112 = tpu.memref_slice %arg6[%dma_wait3A_110, %dma_wait3A_111] : memref<256x128xf32, #tpu.memory_space<vmem>> -> memref<128x128xf32, #tpu.memory_space<vmem>>
      %dma_wait3A_113 = arith.constant 0 : i32
      %dma_wait3A_114 = tpu.memref_slice %arg5[%dma_wait3A_109, %dma_wait3A_113] : memref<160x128xi32, #tpu.memory_space<vmem>> -> memref<1x128xi32, #tpu.memory_space<vmem>>
      %dma_wait3A_115 = tpu.memref_squeeze %dma_wait3A_114 : memref<1x128xi32, #tpu.memory_space<vmem>> -> memref<128xi32, #tpu.memory_space<vmem>>
      %dma_wait3A_116 = arith.constant 0 : i32
      %dma_wait3A_117 = arith.constant 0 : i32
      %dma_wait3A_118 = tpu.memref_slice %arg2[%dma_wait3A_116, %dma_wait3A_117] : memref<10000x128xf32, #tpu.memory_space<hbm>> -> memref<10000x128xf32, #tpu.memory_space<hbm>>
      tpu.wait_indirect_dma semaphore(%arg8 : memref<!tpu.dma_semaphore, #tpu.memory_space<semaphore_mem>>) src(%dma_wait3A_118 : memref<10000x128xf32, #tpu.memory_space<hbm>>) dst(%dma_wait3A_112 : memref<128x128xf32, #tpu.memory_space<vmem>>)
      %dma_wait3A_119 = arith.constant 0 : i32
      %dma_wait3A_120 = arith.constant 128 : i32
      %dma_wait3A_121 = arith.constant 0 : i32
      %dma_wait3A_122 = tpu.memref_slice %arg6[%dma_wait3A_120, %dma_wait3A_121] : memref<256x128xf32, #tpu.memory_space<vmem>> -> memref<128x128xf32, #tpu.memory_space<vmem>>
      %dma_wait3A_123 = arith.constant 0 : i32
      %dma_wait3A_124 = tpu.memref_slice %arg5[%dma_wait3A_119, %dma_wait3A_123] : memref<160x128xi32, #tpu.memory_space<vmem>> -> memref<1x128xi32, #tpu.memory_space<vmem>>
      %dma_wait3A_125 = tpu.memref_squeeze %dma_wait3A_124 : memref<1x128xi32, #tpu.memory_space<vmem>> -> memref<128xi32, #tpu.memory_space<vmem>>
      %dma_wait3A_126 = arith.constant 0 : i32
      %dma_wait3A_127 = arith.constant 0 : i32
      %dma_wait3A_128 = tpu.memref_slice %arg2[%dma_wait3A_126, %dma_wait3A_127] : memref<10000x128xf32, #tpu.memory_space<hbm>> -> memref<10000x128xf32, #tpu.memory_space<hbm>>
      tpu.wait_indirect_dma semaphore(%arg8 : memref<!tpu.dma_semaphore, #tpu.memory_space<semaphore_mem>>) src(%dma_wait3A_128 : memref<10000x128xf32, #tpu.memory_space<hbm>>) dst(%dma_wait3A_122 : memref<128x128xf32, #tpu.memory_space<vmem>>)
      %mul3A_129 = arith.constant 2 : i32
      %mul3A_130 = arith.muli %mul3A_80, %mul3A_129 : i32
      %add3A_131 = arith.addi %mul3A_9, %mul3A_130 : i32
      %add3A_132 = arith.constant 0 : i32
      %add3A_133 = arith.addi %add3A_131, %add3A_132 : i32
      %ge3A_134 = arith.constant 2500 : i32
      %ge3A_135 = arith.cmpi sge, %add3A_133, %ge3A_134 : i32
      %convert_element_type3A = arith.extui %ge3A_135 : i1 to i32
      %mul3A_136 = arith.constant 2500 : i32
      %mul3A_137 = arith.muli %convert_element_type3A, %mul3A_136 : i32
      %sub3A_138 = arith.subi %add3A_133, %mul3A_137 : i32
      %jit3A_139 = arith.constant 10 : i32
      %div3A_140 = arith.divsi %sub3A_138, %jit3A_139 : i32
      %sign3A_141 = arith.constant 0 : i32
      %sign3A_142 = arith.cmpi sgt, %sub3A_138, %sign3A_141 : i32
      %sign3A_143 = arith.extui %sign3A_142 : i1 to i32
      %sign3A_144 = arith.constant 0 : i32
      %sign3A_145 = arith.cmpi slt, %sub3A_138, %sign3A_144 : i32
      %sign3A_146 = arith.extui %sign3A_145 : i1 to i32
      %sign3A_147 = arith.subi %sign3A_143, %sign3A_146 : i32
      %sign3A_148 = arith.constant 0 : i32
      %sign3A_149 = arith.cmpi sgt, %jit3A_139, %sign3A_148 : i32
      %sign3A_150 = arith.extui %sign3A_149 : i1 to i32
      %sign3A_151 = arith.constant 0 : i32
      %sign3A_152 = arith.cmpi slt, %jit3A_139, %sign3A_151 : i32
      %sign3A_153 = arith.extui %sign3A_152 : i1 to i32
      %sign3A_154 = arith.subi %sign3A_150, %sign3A_153 : i32
      %ne3A_155 = arith.cmpi ne, %sign3A_147, %sign3A_154 : i32
      %rem3A_156 = arith.remsi %sub3A_138, %jit3A_139 : i32
      %ne3A_157 = arith.constant 0 : i32
      %ne3A_158 = arith.cmpi ne, %rem3A_156, %ne3A_157 : i32
      %and3A_159 = arith.andi %ne3A_155, %ne3A_158 : i1
      %sub3A_160 = arith.constant 1 : i32
      %sub3A_161 = arith.subi %div3A_140, %sub3A_160 : i32
      %select_n3A_162 = arith.select %and3A_159, %sub3A_161, %div3A_140 : i32
      %jit3A_163 = arith.constant 10 : i32
      %eq3A = arith.constant 0 : i32
      %eq3A_164 = arith.cmpi eq, %jit3A_163, %eq3A : i32
      %jit3A_165 = arith.constant 1 : i32
      %select_n3A_166 = arith.select %eq3A_164, %jit3A_165, %jit3A_163 : i32
      %rem3A_167 = arith.remsi %sub3A_138, %select_n3A_166 : i32
      %ne3A_168 = arith.constant 0 : i32
      %ne3A_169 = arith.cmpi ne, %rem3A_167, %ne3A_168 : i32
      %lt3A = arith.constant 0 : i32
      %lt3A_170 = arith.cmpi slt, %rem3A_167, %lt3A : i32
      %lt3A_171 = arith.constant 0 : i32
      %lt3A_172 = arith.cmpi slt, %select_n3A_166, %lt3A_171 : i32
      %ne3A_173 = arith.xori %lt3A_170, %lt3A_172 : i1
      %and3A_174 = arith.andi %ne3A_173, %ne3A_169 : i1
      %add3A_175 = arith.addi %rem3A_167, %select_n3A_166 : i32
      %select_n3A_176 = arith.select %and3A_174, %add3A_175, %rem3A_167 : i32
      %mul3A_177 = arith.constant 2560 : i32
      %mul3A_178 = arith.muli %select_n3A_162, %mul3A_177 : i32
      %mul3A_179 = arith.constant 1280 : i32
      %mul3A_180 = arith.muli %convert_element_type3A, %mul3A_179 : i32
      %add3A_181 = arith.addi %mul3A_178, %mul3A_180 : i32
      %mul3A_182 = arith.constant 128 : i32
      %mul3A_183 = arith.muli %select_n3A_176, %mul3A_182 : i32
      %add3A_184 = arith.addi %add3A_181, %mul3A_183 : i32
      "tpu.region"() ({
        %run_scoped3A = tpu.sem_alloc : memref<!tpu.dma_semaphore, #tpu.memory_space<semaphore_mem>>
        %dma_start3A_412 = arith.constant 0 : i32
        %dma_start3A_413 = arith.constant 0 : i32
        %dma_start3A_414 = tpu.memref_slice %arg6[%dma_start3A_412, %dma_start3A_413] : memref<256x128xf32, #tpu.memory_space<vmem>> -> memref<128x128xf32, #tpu.memory_space<vmem>>
        %dma_start3A_415 = arith.constant 0 : i32
        %dma_start3A_416 = tpu.memref_slice %arg4[%add3A_184, %dma_start3A_415] : memref<640000x128xf32, #tpu.memory_space<hbm>> -> memref<128x128xf32, #tpu.memory_space<hbm>>
        %dma_start3A_417 = arith.constant 0 : i32
        %dma_start3A_418 = tpu.memref_slice %arg4[%add3A_184, %dma_start3A_417] : memref<640000x128xf32, #tpu.memory_space<hbm>> -> memref<128x128xf32, #tpu.memory_space<hbm>>
        %dma_start3A_419 = arith.constant 0 : i32
        %dma_start3A_420 = arith.constant 0 : i32
        %dma_start3A_421 = tpu.memref_slice %arg6[%dma_start3A_419, %dma_start3A_420] : memref<256x128xf32, #tpu.memory_space<vmem>> -> memref<128x128xf32, #tpu.memory_space<vmem>>
        tpu.enqueue_dma source(%dma_start3A_421 : memref<128x128xf32, #tpu.memory_space<vmem>>) target(%dma_start3A_418 : memref<128x128xf32, #tpu.memory_space<hbm>>) target_semaphore(%run_scoped3A : memref<!tpu.dma_semaphore, #tpu.memory_space<semaphore_mem>>)
        %dma_wait3A_422 = arith.constant 0 : i32
        %dma_wait3A_423 = arith.constant 0 : i32
        %dma_wait3A_424 = tpu.memref_slice %arg6[%dma_wait3A_422, %dma_wait3A_423] : memref<256x128xf32, #tpu.memory_space<vmem>> -> memref<128x128xf32, #tpu.memory_space<vmem>>
        %dma_wait3A_425 = arith.constant 0 : i32
        %dma_wait3A_426 = tpu.memref_slice %arg4[%add3A_184, %dma_wait3A_425] : memref<640000x128xf32, #tpu.memory_space<hbm>> -> memref<128x128xf32, #tpu.memory_space<hbm>>
        %dma_wait3A_427 = arith.constant 0 : i32
        %dma_wait3A_428 = tpu.memref_slice %arg4[%add3A_184, %dma_wait3A_427] : memref<640000x128xf32, #tpu.memory_space<hbm>> -> memref<128x128xf32, #tpu.memory_space<hbm>>
        %dma_wait3A_429 = arith.constant 0 : i32
        %dma_wait3A_430 = arith.constant 0 : i32
        %dma_wait3A_431 = tpu.memref_slice %arg6[%dma_wait3A_429, %dma_wait3A_430] : memref<256x128xf32, #tpu.memory_space<vmem>> -> memref<128x128xf32, #tpu.memory_space<vmem>>
        tpu.wait_dma2 semaphore(%run_scoped3A : memref<!tpu.dma_semaphore, #tpu.memory_space<semaphore_mem>>) src(%dma_wait3A_431 : memref<128x128xf32, #tpu.memory_space<vmem>>) dst(%dma_wait3A_428 : memref<128x128xf32, #tpu.memory_space<hbm>>)
        tpu.yield
      }) : () -> ()
      %mul3A_185 = arith.constant 2 : i32
      %mul3A_186 = arith.muli %mul3A_80, %mul3A_185 : i32
      %add3A_187 = arith.addi %mul3A_9, %mul3A_186 : i32
      %add3A_188 = arith.constant 1 : i32
      %add3A_189 = arith.addi %add3A_187, %add3A_188 : i32
      %ge3A_190 = arith.constant 2500 : i32
      %ge3A_191 = arith.cmpi sge, %add3A_189, %ge3A_190 : i32
      %convert_element_type3A_192 = arith.extui %ge3A_191 : i1 to i32
      %mul3A_193 = arith.constant 2500 : i32
      %mul3A_194 = arith.muli %convert_element_type3A_192, %mul3A_193 : i32
      %sub3A_195 = arith.subi %add3A_189, %mul3A_194 : i32
      %jit3A_196 = arith.constant 10 : i32
      %div3A_197 = arith.divsi %sub3A_195, %jit3A_196 : i32
      %sign3A_198 = arith.constant 0 : i32
      %sign3A_199 = arith.cmpi sgt, %sub3A_195, %sign3A_198 : i32
      %sign3A_200 = arith.extui %sign3A_199 : i1 to i32
      %sign3A_201 = arith.constant 0 : i32
      %sign3A_202 = arith.cmpi slt, %sub3A_195, %sign3A_201 : i32
      %sign3A_203 = arith.extui %sign3A_202 : i1 to i32
      %sign3A_204 = arith.subi %sign3A_200, %sign3A_203 : i32
      %sign3A_205 = arith.constant 0 : i32
      %sign3A_206 = arith.cmpi sgt, %jit3A_196, %sign3A_205 : i32
      %sign3A_207 = arith.extui %sign3A_206 : i1 to i32
      %sign3A_208 = arith.constant 0 : i32
      %sign3A_209 = arith.cmpi slt, %jit3A_196, %sign3A_208 : i32
      %sign3A_210 = arith.extui %sign3A_209 : i1 to i32
      %sign3A_211 = arith.subi %sign3A_207, %sign3A_210 : i32
      %ne3A_212 = arith.cmpi ne, %sign3A_204, %sign3A_211 : i32
      %rem3A_213 = arith.remsi %sub3A_195, %jit3A_196 : i32
      %ne3A_214 = arith.constant 0 : i32
      %ne3A_215 = arith.cmpi ne, %rem3A_213, %ne3A_214 : i32
      %and3A_216 = arith.andi %ne3A_212, %ne3A_215 : i1
      %sub3A_217 = arith.constant 1 : i32
      %sub3A_218 = arith.subi %div3A_197, %sub3A_217 : i32
      %select_n3A_219 = arith.select %and3A_216, %sub3A_218, %div3A_197 : i32
      %jit3A_220 = arith.constant 10 : i32
      %eq3A_221 = arith.constant 0 : i32
      %eq3A_222 = arith.cmpi eq, %jit3A_220, %eq3A_221 : i32
      %jit3A_223 = arith.constant 1 : i32
      %select_n3A_224 = arith.select %eq3A_222, %jit3A_223, %jit3A_220 : i32
      %rem3A_225 = arith.remsi %sub3A_195, %select_n3A_224 : i32
      %ne3A_226 = arith.constant 0 : i32
      %ne3A_227 = arith.cmpi ne, %rem3A_225, %ne3A_226 : i32
      %lt3A_228 = arith.constant 0 : i32
      %lt3A_229 = arith.cmpi slt, %rem3A_225, %lt3A_228 : i32
      %lt3A_230 = arith.constant 0 : i32
      %lt3A_231 = arith.cmpi slt, %select_n3A_224, %lt3A_230 : i32
      %ne3A_232 = arith.xori %lt3A_229, %lt3A_231 : i1
      %and3A_233 = arith.andi %ne3A_232, %ne3A_227 : i1
      %add3A_234 = arith.addi %rem3A_225, %select_n3A_224 : i32
      %select_n3A_235 = arith.select %and3A_233, %add3A_234, %rem3A_225 : i32
      %mul3A_236 = arith.constant 2560 : i32
      %mul3A_237 = arith.muli %select_n3A_219, %mul3A_236 : i32
      %mul3A_238 = arith.constant 1280 : i32
      %mul3A_239 = arith.muli %convert_element_type3A_192, %mul3A_238 : i32
      %add3A_240 = arith.addi %mul3A_237, %mul3A_239 : i32
      %mul3A_241 = arith.constant 128 : i32
      %mul3A_242 = arith.muli %select_n3A_235, %mul3A_241 : i32
      %add3A_243 = arith.addi %add3A_240, %mul3A_242 : i32
      "tpu.region"() ({
        %run_scoped3A = tpu.sem_alloc : memref<!tpu.dma_semaphore, #tpu.memory_space<semaphore_mem>>
        %dma_start3A_412 = arith.constant 128 : i32
        %dma_start3A_413 = arith.constant 0 : i32
        %dma_start3A_414 = tpu.memref_slice %arg6[%dma_start3A_412, %dma_start3A_413] : memref<256x128xf32, #tpu.memory_space<vmem>> -> memref<128x128xf32, #tpu.memory_space<vmem>>
        %dma_start3A_415 = arith.constant 0 : i32
        %dma_start3A_416 = tpu.memref_slice %arg4[%add3A_243, %dma_start3A_415] : memref<640000x128xf32, #tpu.memory_space<hbm>> -> memref<128x128xf32, #tpu.memory_space<hbm>>
        %dma_start3A_417 = arith.constant 0 : i32
        %dma_start3A_418 = tpu.memref_slice %arg4[%add3A_243, %dma_start3A_417] : memref<640000x128xf32, #tpu.memory_space<hbm>> -> memref<128x128xf32, #tpu.memory_space<hbm>>
        %dma_start3A_419 = arith.constant 128 : i32
        %dma_start3A_420 = arith.constant 0 : i32
        %dma_start3A_421 = tpu.memref_slice %arg6[%dma_start3A_419, %dma_start3A_420] : memref<256x128xf32, #tpu.memory_space<vmem>> -> memref<128x128xf32, #tpu.memory_space<vmem>>
        tpu.enqueue_dma source(%dma_start3A_421 : memref<128x128xf32, #tpu.memory_space<vmem>>) target(%dma_start3A_418 : memref<128x128xf32, #tpu.memory_space<hbm>>) target_semaphore(%run_scoped3A : memref<!tpu.dma_semaphore, #tpu.memory_space<semaphore_mem>>)
        %dma_wait3A_422 = arith.constant 128 : i32
        %dma_wait3A_423 = arith.constant 0 : i32
        %dma_wait3A_424 = tpu.memref_slice %arg6[%dma_wait3A_422, %dma_wait3A_423] : memref<256x128xf32, #tpu.memory_space<vmem>> -> memref<128x128xf32, #tpu.memory_space<vmem>>
        %dma_wait3A_425 = arith.constant 0 : i32
        %dma_wait3A_426 = tpu.memref_slice %arg4[%add3A_243, %dma_wait3A_425] : memref<640000x128xf32, #tpu.memory_space<hbm>> -> memref<128x128xf32, #tpu.memory_space<hbm>>
        %dma_wait3A_427 = arith.constant 0 : i32
        %dma_wait3A_428 = tpu.memref_slice %arg4[%add3A_243, %dma_wait3A_427] : memref<640000x128xf32, #tpu.memory_space<hbm>> -> memref<128x128xf32, #tpu.memory_space<hbm>>
        %dma_wait3A_429 = arith.constant 128 : i32
        %dma_wait3A_430 = arith.constant 0 : i32
        %dma_wait3A_431 = tpu.memref_slice %arg6[%dma_wait3A_429, %dma_wait3A_430] : memref<256x128xf32, #tpu.memory_space<vmem>> -> memref<128x128xf32, #tpu.memory_space<vmem>>
        tpu.wait_dma2 semaphore(%run_scoped3A : memref<!tpu.dma_semaphore, #tpu.memory_space<semaphore_mem>>) src(%dma_wait3A_431 : memref<128x128xf32, #tpu.memory_space<vmem>>) dst(%dma_wait3A_428 : memref<128x128xf32, #tpu.memory_space<hbm>>)
        tpu.yield
      }) : () -> ()
      %add3A_244 = arith.constant 2 : i32
      %add3A_245 = arith.addi %mul3A_80, %add3A_244 : i32
      %sub3A_246 = arith.constant 1 : i32
      %sub3A_247 = arith.subi %mul3A_11, %sub3A_246 : i32
      %min3A = arith.minsi %add3A_245, %sub3A_247 : i32
      %mul3A_248 = arith.constant 2 : i32
      %mul3A_249 = arith.muli %min3A, %mul3A_248 : i32
      %add3A_250 = arith.constant 0 : i32
      %add3A_251 = arith.addi %mul3A_249, %add3A_250 : i32
      %dma_start3A_252 = arith.constant 0 : i32
      %dma_start3A_253 = arith.constant 0 : i32
      %dma_start3A_254 = tpu.memref_slice %arg6[%dma_start3A_252, %dma_start3A_253] : memref<256x128xf32, #tpu.memory_space<vmem>> -> memref<128x128xf32, #tpu.memory_space<vmem>>
      %dma_start3A_255 = arith.constant 0 : i32
      %dma_start3A_256 = tpu.memref_slice %arg5[%add3A_251, %dma_start3A_255] : memref<160x128xi32, #tpu.memory_space<vmem>> -> memref<1x128xi32, #tpu.memory_space<vmem>>
      %dma_start3A_257 = tpu.memref_squeeze %dma_start3A_256 : memref<1x128xi32, #tpu.memory_space<vmem>> -> memref<128xi32, #tpu.memory_space<vmem>>
      %dma_start3A_258 = arith.constant 0 : i32
      %dma_start3A_259 = arith.constant 0 : i32
      %dma_start3A_260 = tpu.memref_slice %arg2[%dma_start3A_258, %dma_start3A_259] : memref<10000x128xf32, #tpu.memory_space<hbm>> -> memref<10000x128xf32, #tpu.memory_space<hbm>>
      tpu.enqueue_indirect_dma source(%dma_start3A_260 : memref<10000x128xf32, #tpu.memory_space<hbm>>) target(%dma_start3A_254 : memref<128x128xf32, #tpu.memory_space<vmem>>) offsets(%dma_start3A_257 : memref<128xi32, #tpu.memory_space<vmem>>) semaphore(%arg8 : memref<!tpu.dma_semaphore, #tpu.memory_space<semaphore_mem>>)
      %mul3A_261 = arith.constant 2 : i32
      %mul3A_262 = arith.muli %min3A, %mul3A_261 : i32
      %add3A_263 = arith.constant 1 : i32
      %add3A_264 = arith.addi %mul3A_262, %add3A_263 : i32
      %dma_start3A_265 = arith.constant 128 : i32
      %dma_start3A_266 = arith.constant 0 : i32
      %dma_start3A_267 = tpu.memref_slice %arg6[%dma_start3A_265, %dma_start3A_266] : memref<256x128xf32, #tpu.memory_space<vmem>> -> memref<128x128xf32, #tpu.memory_space<vmem>>
      %dma_start3A_268 = arith.constant 0 : i32
      %dma_start3A_269 = tpu.memref_slice %arg5[%add3A_264, %dma_start3A_268] : memref<160x128xi32, #tpu.memory_space<vmem>> -> memref<1x128xi32, #tpu.memory_space<vmem>>
      %dma_start3A_270 = tpu.memref_squeeze %dma_start3A_269 : memref<1x128xi32, #tpu.memory_space<vmem>> -> memref<128xi32, #tpu.memory_space<vmem>>
      %dma_start3A_271 = arith.constant 0 : i32
      %dma_start3A_272 = arith.constant 0 : i32
      %dma_start3A_273 = tpu.memref_slice %arg2[%dma_start3A_271, %dma_start3A_272] : memref<10000x128xf32, #tpu.memory_space<hbm>> -> memref<10000x128xf32, #tpu.memory_space<hbm>>
      tpu.enqueue_indirect_dma source(%dma_start3A_273 : memref<10000x128xf32, #tpu.memory_space<hbm>>) target(%dma_start3A_267 : memref<128x128xf32, #tpu.memory_space<vmem>>) offsets(%dma_start3A_270 : memref<128xi32, #tpu.memory_space<vmem>>) semaphore(%arg8 : memref<!tpu.dma_semaphore, #tpu.memory_space<semaphore_mem>>)
      %dma_wait3A_274 = arith.constant 0 : i32
      %dma_wait3A_275 = arith.constant 0 : i32
      %dma_wait3A_276 = tpu.memref_slice %arg7[%dma_wait3A_274, %dma_wait3A_275] : memref<256x128xf32, #tpu.memory_space<vmem>> -> memref<128x128xf32, #tpu.memory_space<vmem>>
      %dma_wait3A_277 = arith.constant 0 : i32
      %dma_wait3A_278 = tpu.memref_slice %arg5[%add3A_86, %dma_wait3A_277] : memref<160x128xi32, #tpu.memory_space<vmem>> -> memref<1x128xi32, #tpu.memory_space<vmem>>
      %dma_wait3A_279 = tpu.memref_squeeze %dma_wait3A_278 : memref<1x128xi32, #tpu.memory_space<vmem>> -> memref<128xi32, #tpu.memory_space<vmem>>
      %dma_wait3A_280 = arith.constant 0 : i32
      %dma_wait3A_281 = arith.constant 0 : i32
      %dma_wait3A_282 = tpu.memref_slice %arg2[%dma_wait3A_280, %dma_wait3A_281] : memref<10000x128xf32, #tpu.memory_space<hbm>> -> memref<10000x128xf32, #tpu.memory_space<hbm>>
      tpu.wait_indirect_dma semaphore(%arg9 : memref<!tpu.dma_semaphore, #tpu.memory_space<semaphore_mem>>) src(%dma_wait3A_282 : memref<10000x128xf32, #tpu.memory_space<hbm>>) dst(%dma_wait3A_276 : memref<128x128xf32, #tpu.memory_space<vmem>>)
      %dma_wait3A_283 = arith.constant 128 : i32
      %dma_wait3A_284 = arith.constant 0 : i32
      %dma_wait3A_285 = tpu.memref_slice %arg7[%dma_wait3A_283, %dma_wait3A_284] : memref<256x128xf32, #tpu.memory_space<vmem>> -> memref<128x128xf32, #tpu.memory_space<vmem>>
      %dma_wait3A_286 = arith.constant 0 : i32
      %dma_wait3A_287 = tpu.memref_slice %arg5[%add3A_99, %dma_wait3A_286] : memref<160x128xi32, #tpu.memory_space<vmem>> -> memref<1x128xi32, #tpu.memory_space<vmem>>
      %dma_wait3A_288 = tpu.memref_squeeze %dma_wait3A_287 : memref<1x128xi32, #tpu.memory_space<vmem>> -> memref<128xi32, #tpu.memory_space<vmem>>
      %dma_wait3A_289 = arith.constant 0 : i32
      %dma_wait3A_290 = arith.constant 0 : i32
      %dma_wait3A_291 = tpu.memref_slice %arg2[%dma_wait3A_289, %dma_wait3A_290] : memref<10000x128xf32, #tpu.memory_space<hbm>> -> memref<10000x128xf32, #tpu.memory_space<hbm>>
      tpu.wait_indirect_dma semaphore(%arg9 : memref<!tpu.dma_semaphore, #tpu.memory_space<semaphore_mem>>) src(%dma_wait3A_291 : memref<10000x128xf32, #tpu.memory_space<hbm>>) dst(%dma_wait3A_285 : memref<128x128xf32, #tpu.memory_space<vmem>>)
      %add3A_292 = arith.constant 1 : i32
      %add3A_293 = arith.addi %mul3A_80, %add3A_292 : i32
      %mul3A_294 = arith.constant 2 : i32
      %mul3A_295 = arith.muli %add3A_293, %mul3A_294 : i32
      %add3A_296 = arith.addi %mul3A_9, %mul3A_295 : i32
      %add3A_297 = arith.constant 0 : i32
      %add3A_298 = arith.addi %add3A_296, %add3A_297 : i32
      %ge3A_299 = arith.constant 2500 : i32
      %ge3A_300 = arith.cmpi sge, %add3A_298, %ge3A_299 : i32
      %convert_element_type3A_301 = arith.extui %ge3A_300 : i1 to i32
      %mul3A_302 = arith.constant 2500 : i32
      %mul3A_303 = arith.muli %convert_element_type3A_301, %mul3A_302 : i32
      %sub3A_304 = arith.subi %add3A_298, %mul3A_303 : i32
      %jit3A_305 = arith.constant 10 : i32
      %div3A_306 = arith.divsi %sub3A_304, %jit3A_305 : i32
      %sign3A_307 = arith.constant 0 : i32
      %sign3A_308 = arith.cmpi sgt, %sub3A_304, %sign3A_307 : i32
      %sign3A_309 = arith.extui %sign3A_308 : i1 to i32
      %sign3A_310 = arith.constant 0 : i32
      %sign3A_311 = arith.cmpi slt, %sub3A_304, %sign3A_310 : i32
      %sign3A_312 = arith.extui %sign3A_311 : i1 to i32
      %sign3A_313 = arith.subi %sign3A_309, %sign3A_312 : i32
      %sign3A_314 = arith.constant 0 : i32
      %sign3A_315 = arith.cmpi sgt, %jit3A_305, %sign3A_314 : i32
      %sign3A_316 = arith.extui %sign3A_315 : i1 to i32
      %sign3A_317 = arith.constant 0 : i32
      %sign3A_318 = arith.cmpi slt, %jit3A_305, %sign3A_317 : i32
      %sign3A_319 = arith.extui %sign3A_318 : i1 to i32
      %sign3A_320 = arith.subi %sign3A_316, %sign3A_319 : i32
      %ne3A_321 = arith.cmpi ne, %sign3A_313, %sign3A_320 : i32
      %rem3A_322 = arith.remsi %sub3A_304, %jit3A_305 : i32
      %ne3A_323 = arith.constant 0 : i32
      %ne3A_324 = arith.cmpi ne, %rem3A_322, %ne3A_323 : i32
      %and3A_325 = arith.andi %ne3A_321, %ne3A_324 : i1
      %sub3A_326 = arith.constant 1 : i32
      %sub3A_327 = arith.subi %div3A_306, %sub3A_326 : i32
      %select_n3A_328 = arith.select %and3A_325, %sub3A_327, %div3A_306 : i32
      %jit3A_329 = arith.constant 10 : i32
      %eq3A_330 = arith.constant 0 : i32
      %eq3A_331 = arith.cmpi eq, %jit3A_329, %eq3A_330 : i32
      %jit3A_332 = arith.constant 1 : i32
      %select_n3A_333 = arith.select %eq3A_331, %jit3A_332, %jit3A_329 : i32
      %rem3A_334 = arith.remsi %sub3A_304, %select_n3A_333 : i32
      %ne3A_335 = arith.constant 0 : i32
      %ne3A_336 = arith.cmpi ne, %rem3A_334, %ne3A_335 : i32
      %lt3A_337 = arith.constant 0 : i32
      %lt3A_338 = arith.cmpi slt, %rem3A_334, %lt3A_337 : i32
      %lt3A_339 = arith.constant 0 : i32
      %lt3A_340 = arith.cmpi slt, %select_n3A_333, %lt3A_339 : i32
      %ne3A_341 = arith.xori %lt3A_338, %lt3A_340 : i1
      %and3A_342 = arith.andi %ne3A_341, %ne3A_336 : i1
      %add3A_343 = arith.addi %rem3A_334, %select_n3A_333 : i32
      %select_n3A_344 = arith.select %and3A_342, %add3A_343, %rem3A_334 : i32
      %mul3A_345 = arith.constant 2560 : i32
      %mul3A_346 = arith.muli %select_n3A_328, %mul3A_345 : i32
      %mul3A_347 = arith.constant 1280 : i32
      %mul3A_348 = arith.muli %convert_element_type3A_301, %mul3A_347 : i32
      %add3A_349 = arith.addi %mul3A_346, %mul3A_348 : i32
      %mul3A_350 = arith.constant 128 : i32
      %mul3A_351 = arith.muli %select_n3A_344, %mul3A_350 : i32
      %add3A_352 = arith.addi %add3A_349, %mul3A_351 : i32
      "tpu.region"() ({
        %run_scoped3A = tpu.sem_alloc : memref<!tpu.dma_semaphore, #tpu.memory_space<semaphore_mem>>
        %dma_start3A_412 = arith.constant 0 : i32
        %dma_start3A_413 = arith.constant 0 : i32
        %dma_start3A_414 = tpu.memref_slice %arg7[%dma_start3A_412, %dma_start3A_413] : memref<256x128xf32, #tpu.memory_space<vmem>> -> memref<128x128xf32, #tpu.memory_space<vmem>>
        %dma_start3A_415 = arith.constant 0 : i32
        %dma_start3A_416 = tpu.memref_slice %arg4[%add3A_352, %dma_start3A_415] : memref<640000x128xf32, #tpu.memory_space<hbm>> -> memref<128x128xf32, #tpu.memory_space<hbm>>
        %dma_start3A_417 = arith.constant 0 : i32
        %dma_start3A_418 = tpu.memref_slice %arg4[%add3A_352, %dma_start3A_417] : memref<640000x128xf32, #tpu.memory_space<hbm>> -> memref<128x128xf32, #tpu.memory_space<hbm>>
        %dma_start3A_419 = arith.constant 0 : i32
        %dma_start3A_420 = arith.constant 0 : i32
        %dma_start3A_421 = tpu.memref_slice %arg7[%dma_start3A_419, %dma_start3A_420] : memref<256x128xf32, #tpu.memory_space<vmem>> -> memref<128x128xf32, #tpu.memory_space<vmem>>
        tpu.enqueue_dma source(%dma_start3A_421 : memref<128x128xf32, #tpu.memory_space<vmem>>) target(%dma_start3A_418 : memref<128x128xf32, #tpu.memory_space<hbm>>) target_semaphore(%run_scoped3A : memref<!tpu.dma_semaphore, #tpu.memory_space<semaphore_mem>>)
        %dma_wait3A_422 = arith.constant 0 : i32
        %dma_wait3A_423 = arith.constant 0 : i32
        %dma_wait3A_424 = tpu.memref_slice %arg7[%dma_wait3A_422, %dma_wait3A_423] : memref<256x128xf32, #tpu.memory_space<vmem>> -> memref<128x128xf32, #tpu.memory_space<vmem>>
        %dma_wait3A_425 = arith.constant 0 : i32
        %dma_wait3A_426 = tpu.memref_slice %arg4[%add3A_352, %dma_wait3A_425] : memref<640000x128xf32, #tpu.memory_space<hbm>> -> memref<128x128xf32, #tpu.memory_space<hbm>>
        %dma_wait3A_427 = arith.constant 0 : i32
        %dma_wait3A_428 = tpu.memref_slice %arg4[%add3A_352, %dma_wait3A_427] : memref<640000x128xf32, #tpu.memory_space<hbm>> -> memref<128x128xf32, #tpu.memory_space<hbm>>
        %dma_wait3A_429 = arith.constant 0 : i32
        %dma_wait3A_430 = arith.constant 0 : i32
        %dma_wait3A_431 = tpu.memref_slice %arg7[%dma_wait3A_429, %dma_wait3A_430] : memref<256x128xf32, #tpu.memory_space<vmem>> -> memref<128x128xf32, #tpu.memory_space<vmem>>
        tpu.wait_dma2 semaphore(%run_scoped3A : memref<!tpu.dma_semaphore, #tpu.memory_space<semaphore_mem>>) src(%dma_wait3A_431 : memref<128x128xf32, #tpu.memory_space<vmem>>) dst(%dma_wait3A_428 : memref<128x128xf32, #tpu.memory_space<hbm>>)
        tpu.yield
      }) : () -> ()
      %mul3A_353 = arith.constant 2 : i32
      %mul3A_354 = arith.muli %add3A_293, %mul3A_353 : i32
      %add3A_355 = arith.addi %mul3A_9, %mul3A_354 : i32
      %add3A_356 = arith.constant 1 : i32
      %add3A_357 = arith.addi %add3A_355, %add3A_356 : i32
      %ge3A_358 = arith.constant 2500 : i32
      %ge3A_359 = arith.cmpi sge, %add3A_357, %ge3A_358 : i32
      %convert_element_type3A_360 = arith.extui %ge3A_359 : i1 to i32
      %mul3A_361 = arith.constant 2500 : i32
      %mul3A_362 = arith.muli %convert_element_type3A_360, %mul3A_361 : i32
      %sub3A_363 = arith.subi %add3A_357, %mul3A_362 : i32
      %jit3A_364 = arith.constant 10 : i32
      %div3A_365 = arith.divsi %sub3A_363, %jit3A_364 : i32
      %sign3A_366 = arith.constant 0 : i32
      %sign3A_367 = arith.cmpi sgt, %sub3A_363, %sign3A_366 : i32
      %sign3A_368 = arith.extui %sign3A_367 : i1 to i32
      %sign3A_369 = arith.constant 0 : i32
      %sign3A_370 = arith.cmpi slt, %sub3A_363, %sign3A_369 : i32
      %sign3A_371 = arith.extui %sign3A_370 : i1 to i32
      %sign3A_372 = arith.subi %sign3A_368, %sign3A_371 : i32
      %sign3A_373 = arith.constant 0 : i32
      %sign3A_374 = arith.cmpi sgt, %jit3A_364, %sign3A_373 : i32
      %sign3A_375 = arith.extui %sign3A_374 : i1 to i32
      %sign3A_376 = arith.constant 0 : i32
      %sign3A_377 = arith.cmpi slt, %jit3A_364, %sign3A_376 : i32
      %sign3A_378 = arith.extui %sign3A_377 : i1 to i32
      %sign3A_379 = arith.subi %sign3A_375, %sign3A_378 : i32
      %ne3A_380 = arith.cmpi ne, %sign3A_372, %sign3A_379 : i32
      %rem3A_381 = arith.remsi %sub3A_363, %jit3A_364 : i32
      %ne3A_382 = arith.constant 0 : i32
      %ne3A_383 = arith.cmpi ne, %rem3A_381, %ne3A_382 : i32
      %and3A_384 = arith.andi %ne3A_380, %ne3A_383 : i1
      %sub3A_385 = arith.constant 1 : i32
      %sub3A_386 = arith.subi %div3A_365, %sub3A_385 : i32
      %select_n3A_387 = arith.select %and3A_384, %sub3A_386, %div3A_365 : i32
      %jit3A_388 = arith.constant 10 : i32
      %eq3A_389 = arith.constant 0 : i32
      %eq3A_390 = arith.cmpi eq, %jit3A_388, %eq3A_389 : i32
      %jit3A_391 = arith.constant 1 : i32
      %select_n3A_392 = arith.select %eq3A_390, %jit3A_391, %jit3A_388 : i32
      %rem3A_393 = arith.remsi %sub3A_363, %select_n3A_392 : i32
      %ne3A_394 = arith.constant 0 : i32
      %ne3A_395 = arith.cmpi ne, %rem3A_393, %ne3A_394 : i32
      %lt3A_396 = arith.constant 0 : i32
      %lt3A_397 = arith.cmpi slt, %rem3A_393, %lt3A_396 : i32
      %lt3A_398 = arith.constant 0 : i32
      %lt3A_399 = arith.cmpi slt, %select_n3A_392, %lt3A_398 : i32
      %ne3A_400 = arith.xori %lt3A_397, %lt3A_399 : i1
      %and3A_401 = arith.andi %ne3A_400, %ne3A_395 : i1
      %add3A_402 = arith.addi %rem3A_393, %select_n3A_392 : i32
      %select_n3A_403 = arith.select %and3A_401, %add3A_402, %rem3A_393 : i32
      %mul3A_404 = arith.constant 2560 : i32
      %mul3A_405 = arith.muli %select_n3A_387, %mul3A_404 : i32
      %mul3A_406 = arith.constant 1280 : i32
      %mul3A_407 = arith.muli %convert_element_type3A_360, %mul3A_406 : i32
      %add3A_408 = arith.addi %mul3A_405, %mul3A_407 : i32
      %mul3A_409 = arith.constant 128 : i32
      %mul3A_410 = arith.muli %select_n3A_403, %mul3A_409 : i32
      %add3A_411 = arith.addi %add3A_408, %mul3A_410 : i32
      "tpu.region"() ({
        %run_scoped3A = tpu.sem_alloc : memref<!tpu.dma_semaphore, #tpu.memory_space<semaphore_mem>>
        %dma_start3A_412 = arith.constant 128 : i32
        %dma_start3A_413 = arith.constant 0 : i32
        %dma_start3A_414 = tpu.memref_slice %arg7[%dma_start3A_412, %dma_start3A_413] : memref<256x128xf32, #tpu.memory_space<vmem>> -> memref<128x128xf32, #tpu.memory_space<vmem>>
        %dma_start3A_415 = arith.constant 0 : i32
        %dma_start3A_416 = tpu.memref_slice %arg4[%add3A_411, %dma_start3A_415] : memref<640000x128xf32, #tpu.memory_space<hbm>> -> memref<128x128xf32, #tpu.memory_space<hbm>>
        %dma_start3A_417 = arith.constant 0 : i32
        %dma_start3A_418 = tpu.memref_slice %arg4[%add3A_411, %dma_start3A_417] : memref<640000x128xf32, #tpu.memory_space<hbm>> -> memref<128x128xf32, #tpu.memory_space<hbm>>
        %dma_start3A_419 = arith.constant 128 : i32
        %dma_start3A_420 = arith.constant 0 : i32
        %dma_start3A_421 = tpu.memref_slice %arg7[%dma_start3A_419, %dma_start3A_420] : memref<256x128xf32, #tpu.memory_space<vmem>> -> memref<128x128xf32, #tpu.memory_space<vmem>>
        tpu.enqueue_dma source(%dma_start3A_421 : memref<128x128xf32, #tpu.memory_space<vmem>>) target(%dma_start3A_418 : memref<128x128xf32, #tpu.memory_space<hbm>>) target_semaphore(%run_scoped3A : memref<!tpu.dma_semaphore, #tpu.memory_space<semaphore_mem>>)
        %dma_wait3A_422 = arith.constant 128 : i32
        %dma_wait3A_423 = arith.constant 0 : i32
        %dma_wait3A_424 = tpu.memref_slice %arg7[%dma_wait3A_422, %dma_wait3A_423] : memref<256x128xf32, #tpu.memory_space<vmem>> -> memref<128x128xf32, #tpu.memory_space<vmem>>
        %dma_wait3A_425 = arith.constant 0 : i32
        %dma_wait3A_426 = tpu.memref_slice %arg4[%add3A_411, %dma_wait3A_425] : memref<640000x128xf32, #tpu.memory_space<hbm>> -> memref<128x128xf32, #tpu.memory_space<hbm>>
        %dma_wait3A_427 = arith.constant 0 : i32
        %dma_wait3A_428 = tpu.memref_slice %arg4[%add3A_411, %dma_wait3A_427] : memref<640000x128xf32, #tpu.memory_space<hbm>> -> memref<128x128xf32, #tpu.memory_space<hbm>>
        %dma_wait3A_429 = arith.constant 128 : i32
        %dma_wait3A_430 = arith.constant 0 : i32
        %dma_wait3A_431 = tpu.memref_slice %arg7[%dma_wait3A_429, %dma_wait3A_430] : memref<256x128xf32, #tpu.memory_space<vmem>> -> memref<128x128xf32, #tpu.memory_space<vmem>>
        tpu.wait_dma2 semaphore(%run_scoped3A : memref<!tpu.dma_semaphore, #tpu.memory_space<semaphore_mem>>) src(%dma_wait3A_431 : memref<128x128xf32, #tpu.memory_space<vmem>>) dst(%dma_wait3A_428 : memref<128x128xf32, #tpu.memory_space<hbm>>)
        tpu.yield
      }) : () -> ()
    }
    %dma_wait3A = arith.constant 0 : i32
    %dma_wait3A_59 = arith.constant 0 : i32
    %dma_wait3A_60 = arith.constant 0 : i32
    %dma_wait3A_61 = tpu.memref_slice %arg6[%dma_wait3A_59, %dma_wait3A_60] : memref<256x128xf32, #tpu.memory_space<vmem>> -> memref<128x128xf32, #tpu.memory_space<vmem>>
    %dma_wait3A_62 = arith.constant 0 : i32
    %dma_wait3A_63 = tpu.memref_slice %arg5[%dma_wait3A, %dma_wait3A_62] : memref<160x128xi32, #tpu.memory_space<vmem>> -> memref<1x128xi32, #tpu.memory_space<vmem>>
    %dma_wait3A_64 = tpu.memref_squeeze %dma_wait3A_63 : memref<1x128xi32, #tpu.memory_space<vmem>> -> memref<128xi32, #tpu.memory_space<vmem>>
    %dma_wait3A_65 = arith.constant 0 : i32
    %dma_wait3A_66 = arith.constant 0 : i32
    %dma_wait3A_67 = tpu.memref_slice %arg2[%dma_wait3A_65, %dma_wait3A_66] : memref<10000x128xf32, #tpu.memory_space<hbm>> -> memref<10000x128xf32, #tpu.memory_space<hbm>>
    tpu.wait_indirect_dma semaphore(%arg8 : memref<!tpu.dma_semaphore, #tpu.memory_space<semaphore_mem>>) src(%dma_wait3A_67 : memref<10000x128xf32, #tpu.memory_space<hbm>>) dst(%dma_wait3A_61 : memref<128x128xf32, #tpu.memory_space<vmem>>)
    %dma_wait3A_68 = arith.constant 0 : i32
    %dma_wait3A_69 = arith.constant 128 : i32
    %dma_wait3A_70 = arith.constant 0 : i32
    %dma_wait3A_71 = tpu.memref_slice %arg6[%dma_wait3A_69, %dma_wait3A_70] : memref<256x128xf32, #tpu.memory_space<vmem>> -> memref<128x128xf32, #tpu.memory_space<vmem>>
    %dma_wait3A_72 = arith.constant 0 : i32
    %dma_wait3A_73 = tpu.memref_slice %arg5[%dma_wait3A_68, %dma_wait3A_72] : memref<160x128xi32, #tpu.memory_space<vmem>> -> memref<1x128xi32, #tpu.memory_space<vmem>>
    %dma_wait3A_74 = tpu.memref_squeeze %dma_wait3A_73 : memref<1x128xi32, #tpu.memory_space<vmem>> -> memref<128xi32, #tpu.memory_space<vmem>>
    %dma_wait3A_75 = arith.constant 0 : i32
    %dma_wait3A_76 = arith.constant 0 : i32
    %dma_wait3A_77 = tpu.memref_slice %arg2[%dma_wait3A_75, %dma_wait3A_76] : memref<10000x128xf32, #tpu.memory_space<hbm>> -> memref<10000x128xf32, #tpu.memory_space<hbm>>
    tpu.wait_indirect_dma semaphore(%arg8 : memref<!tpu.dma_semaphore, #tpu.memory_space<semaphore_mem>>) src(%dma_wait3A_77 : memref<10000x128xf32, #tpu.memory_space<hbm>>) dst(%dma_wait3A_71 : memref<128x128xf32, #tpu.memory_space<vmem>>)
    return
  }
}

module attributes {stable_mosaic.version = 14 : i64} {
  func.func @_epilogue_body(%arg0: i32, %arg1: memref<20x1280xf32, #tpu.memory_space<vmem>>, %arg2: memref<2x20xf32, #tpu.memory_space<vmem>>, %arg3: memref<640x1280xbf16, #tpu.memory_space<vmem>>, %arg4: memref<1x640xf32, #tpu.memory_space<vmem>>, %arg5: memref<1280x640xbf16, #tpu.memory_space<vmem>>, %arg6: memref<1x1280xf32, #tpu.memory_space<vmem>>, %arg7: memref<1280x1280xbf16, #tpu.memory_space<vmem>>, %arg8: memref<1x1280xf32, #tpu.memory_space<vmem>>, %arg9: memref<2x20xf32, #tpu.memory_space<vmem>>, %arg10: memref<1x1280xf32, #tpu.memory_space<vmem>>, %arg11: memref<1x1280xf32, #tpu.memory_space<vmem>>) attributes {dimension_semantics = [#tpu.dimension_semantics<arbitrary>], iteration_bounds = array<i64: 8>, scalar_prefetch = 0 : i64, scratch_operands = 2 : i64, tpu.core_type = #tpu.core_type<tc>, window_params = [{pipeline_mode = #tpu.pipeline_mode<synchronous>, transform_indices = @transform_0, window_bounds = array<i64: 20, 1280>}, {pipeline_mode = #tpu.pipeline_mode<synchronous>, transform_indices = @transform_1, window_bounds = array<i64: 2, 20>}, {transform_indices = @transform_2, window_bounds = array<i64: 640, 1280>}, {transform_indices = @transform_3, window_bounds = array<i64: 1, 640>}, {transform_indices = @transform_4, window_bounds = array<i64: 1280, 640>}, {pipeline_mode = #tpu.pipeline_mode<synchronous>, transform_indices = @transform_5, window_bounds = array<i64: 1, 1280>}, {pipeline_mode = #tpu.pipeline_mode<synchronous>, transform_indices = @transform_6, window_bounds = array<i64: 1280, 1280>}, {pipeline_mode = #tpu.pipeline_mode<synchronous>, transform_indices = @transform_7, window_bounds = array<i64: 1, 1280>}, {pipeline_mode = #tpu.pipeline_mode<synchronous>, transform_indices = @transform_8, window_bounds = array<i64: 2, 20>}]} {
    %eq3A = arith.constant 0 : i32
    %eq3A_0 = arith.cmpi eq, %arg0, %eq3A : i32
    %convert_element_type3A = arith.extui %eq3A_0 : i1 to i32
    %cond3A = arith.constant 0 : i32
    %cond3A_1 = arith.cmpi ne, %convert_element_type3A, %cond3A : i32
    scf.if %cond3A_1 {
      %get3A_31 = arith.constant 0 : index
      %get3A_32 = arith.constant 0 : index
      %get3A_33 = vector.load %arg2[%get3A_31, %get3A_32] : memref<2x20xf32, #tpu.memory_space<vmem>>, vector<1x20xf32>
      %broadcast_in_dim3A = arith.constant 0.000000e+00 : f32
      %broadcast_in_dim3A_34 = vector.broadcast %broadcast_in_dim3A : f32 to vector<1x20xf32>
      %broadcast_in_dim3A_35 = arith.constant 0.000000e+00 : f32
      %broadcast_in_dim3A_36 = vector.broadcast %broadcast_in_dim3A_35 : f32 to vector<20x1280xf32>
      %get3A_37 = arith.constant 0 : index
      %get3A_38 = arith.constant 0 : index
      %get3A_39 = vector.load %arg2[%get3A_37, %get3A_38] : memref<2x20xf32, #tpu.memory_space<vmem>>, vector<1x20xf32>
      %sub3A = arith.subf %get3A_39, %get3A_33 : vector<1x20xf32>
      %exp3A = math.exp %sub3A : vector<1x20xf32>
      %get3A_40 = arith.constant 1 : index
      %get3A_41 = arith.constant 0 : index
      %get3A_42 = vector.load %arg2[%get3A_40, %get3A_41] : memref<2x20xf32, #tpu.memory_space<vmem>>, vector<1x20xf32>
      %mul3A = arith.mulf %exp3A, %get3A_42 : vector<1x20xf32>
      %add3A_43 = arith.addf %broadcast_in_dim3A_34, %mul3A : vector<1x20xf32>
      %iota3A = tpu.iota {dimensions = array<i32: 0>} : vector<20x20xi32>
      %iota3A_44 = tpu.iota {dimensions = array<i32: 1>} : vector<20x20xi32>
      %broadcast_in_dim3A_45 = vector.shape_cast %exp3A : vector<1x20xf32> to vector<1x20xf32>
      %broadcast_in_dim3A_46 = vector.broadcast %broadcast_in_dim3A_45 : vector<1x20xf32> to vector<20x20xf32>
      %eq3A_47 = arith.cmpi eq, %iota3A, %iota3A_44 : vector<20x20xi32>
      %jit3A = arith.constant 0.000000e+00 : f32
      %broadcast_in_dim3A_48 = vector.broadcast %jit3A : f32 to vector<20x20xf32>
      %select_n3A = arith.select %eq3A_47, %broadcast_in_dim3A_46, %broadcast_in_dim3A_48 : vector<20x20xi1>, vector<20x20xf32>
      %reduce_sum3A = arith.constant dense<0.000000e+00> : vector<20xf32>
      %reduce_sum3A_49 = vector.multi_reduction <add>, %select_n3A, %reduce_sum3A [1] : vector<20x20xf32> to vector<20xf32>
      %broadcast_in_dim3A_50 = vector.shape_cast %reduce_sum3A_49 : vector<20xf32> to vector<20x1xf32>
      %get3A_51 = arith.constant 0 : index
      %get3A_52 = arith.constant 0 : index
      %get3A_53 = vector.load %arg1[%get3A_51, %get3A_52] : memref<20x1280xf32, #tpu.memory_space<vmem>>, vector<20x1280xf32>
      %mul3A_54 = vector.broadcast %broadcast_in_dim3A_50 : vector<20x1xf32> to vector<20x1280xf32>
      %mul3A_55 = arith.mulf %mul3A_54, %get3A_53 : vector<20x1280xf32>
      %add3A_56 = arith.addf %broadcast_in_dim3A_36, %mul3A_55 : vector<20x1280xf32>
      %swap3A_57 = arith.constant 0 : index
      %swap3A_58 = arith.constant 0 : index
      %swap3A_59 = vector.load %arg9[%swap3A_57, %swap3A_58] : memref<2x20xf32, #tpu.memory_space<vmem>>, vector<1x20xf32>
      tpu.vector_store %arg9[%swap3A_57, %swap3A_58], %get3A_33 {strides = array<i32>} : memref<2x20xf32, #tpu.memory_space<vmem>>, vector<1x20xf32>,
      %swap3A_60 = arith.constant 1 : index
      %swap3A_61 = arith.constant 0 : index
      %swap3A_62 = vector.load %arg9[%swap3A_60, %swap3A_61] : memref<2x20xf32, #tpu.memory_space<vmem>>, vector<1x20xf32>
      tpu.vector_store %arg9[%swap3A_60, %swap3A_61], %add3A_43 {strides = array<i32>} : memref<2x20xf32, #tpu.memory_space<vmem>>, vector<1x20xf32>,
      %iota3A_63 = tpu.iota {dimensions = array<i32: 0>} : vector<20x20xi32>
      %iota3A_64 = tpu.iota {dimensions = array<i32: 1>} : vector<20x20xi32>
      %broadcast_in_dim3A_65 = vector.shape_cast %add3A_43 : vector<1x20xf32> to vector<1x20xf32>
      %broadcast_in_dim3A_66 = vector.broadcast %broadcast_in_dim3A_65 : vector<1x20xf32> to vector<20x20xf32>
      %eq3A_67 = arith.cmpi eq, %iota3A_63, %iota3A_64 : vector<20x20xi32>
      %jit3A_68 = arith.constant 0.000000e+00 : f32
      %broadcast_in_dim3A_69 = vector.broadcast %jit3A_68 : f32 to vector<20x20xf32>
      %select_n3A_70 = arith.select %eq3A_67, %broadcast_in_dim3A_66, %broadcast_in_dim3A_69 : vector<20x20xi1>, vector<20x20xf32>
      %reduce_sum3A_71 = arith.constant dense<0.000000e+00> : vector<20xf32>
      %reduce_sum3A_72 = vector.multi_reduction <add>, %select_n3A_70, %reduce_sum3A_71 [1] : vector<20x20xf32> to vector<20xf32>
      %broadcast_in_dim3A_73 = vector.shape_cast %reduce_sum3A_72 : vector<20xf32> to vector<20x1xf32>
      %div3A = vector.broadcast %broadcast_in_dim3A_73 : vector<20x1xf32> to vector<20x1280xf32>
      %div3A_74 = arith.divf %add3A_56, %div3A : vector<20x1280xf32>
      %iota3A_75 = tpu.iota {dimensions = array<i32: 0>} : vector<20x1280xi32>
      %iota3A_76 = tpu.iota {dimensions = array<i32: 1>} : vector<20x1280xi32>
      %jit3A_77 = arith.constant 64 : i32
      %div3A_78 = vector.broadcast %jit3A_77 : i32 to vector<20x1280xi32>
      %div3A_79 = arith.divsi %iota3A_76, %div3A_78 : vector<20x1280xi32>
      %sign3A = arith.constant 0 : i32
      %sign3A_80 = vector.broadcast %sign3A : i32 to vector<20x1280xi32>
      %sign3A_81 = arith.cmpi sgt, %iota3A_76, %sign3A_80 : vector<20x1280xi32>
      %sign3A_82 = arith.extui %sign3A_81 : vector<20x1280xi1> to vector<20x1280xi32>
      %sign3A_83 = arith.constant 0 : i32
      %sign3A_84 = vector.broadcast %sign3A_83 : i32 to vector<20x1280xi32>
      %sign3A_85 = arith.cmpi slt, %iota3A_76, %sign3A_84 : vector<20x1280xi32>
      %sign3A_86 = arith.extui %sign3A_85 : vector<20x1280xi1> to vector<20x1280xi32>
      %sign3A_87 = arith.subi %sign3A_82, %sign3A_86 : vector<20x1280xi32>
      %sign3A_88 = arith.constant 0 : i32
      %sign3A_89 = arith.cmpi sgt, %jit3A_77, %sign3A_88 : i32
      %sign3A_90 = arith.extui %sign3A_89 : i1 to i32
      %sign3A_91 = arith.constant 0 : i32
      %sign3A_92 = arith.cmpi slt, %jit3A_77, %sign3A_91 : i32
      %sign3A_93 = arith.extui %sign3A_92 : i1 to i32
      %sign3A_94 = arith.subi %sign3A_90, %sign3A_93 : i32
      %ne3A = vector.broadcast %sign3A_94 : i32 to vector<20x1280xi32>
      %ne3A_95 = arith.cmpi ne, %sign3A_87, %ne3A : vector<20x1280xi32>
      %rem3A = vector.broadcast %jit3A_77 : i32 to vector<20x1280xi32>
      %rem3A_96 = arith.remsi %iota3A_76, %rem3A : vector<20x1280xi32>
      %ne3A_97 = arith.constant 0 : i32
      %ne3A_98 = vector.broadcast %ne3A_97 : i32 to vector<20x1280xi32>
      %ne3A_99 = arith.cmpi ne, %rem3A_96, %ne3A_98 : vector<20x1280xi32>
      %and3A = arith.andi %ne3A_95, %ne3A_99 : vector<20x1280xi1>
      %sub3A_100 = arith.constant 1 : i32
      %sub3A_101 = vector.broadcast %sub3A_100 : i32 to vector<20x1280xi32>
      %sub3A_102 = arith.subi %div3A_79, %sub3A_101 : vector<20x1280xi32>
      %select_n3A_103 = arith.select %and3A, %sub3A_102, %div3A_79 : vector<20x1280xi1>, vector<20x1280xi32>
      %eq3A_104 = arith.cmpi eq, %select_n3A_103, %iota3A_75 : vector<20x1280xi32>
      %jit3A_105 = arith.constant 0.000000e+00 : f32
      %broadcast_in_dim3A_106 = vector.broadcast %jit3A_105 : f32 to vector<20x1280xf32>
      %select_n3A_107 = arith.select %eq3A_104, %div3A_74, %broadcast_in_dim3A_106 : vector<20x1280xi1>, vector<20x1280xf32>
      %reduce_sum3A_108 = arith.constant dense<0.000000e+00> : vector<1280xf32>
      %reduce_sum3A_109 = vector.multi_reduction <add>, %select_n3A_107, %reduce_sum3A_108 [0] : vector<20x1280xf32> to vector<1280xf32>
      %broadcast_in_dim3A_110 = vector.shape_cast %reduce_sum3A_109 : vector<1280xf32> to vector<1x1280xf32>
      %swap3A_111 = arith.constant 0 : index
      %swap3A_112 = arith.constant 0 : index
      %swap3A_113 = vector.load %arg10[%swap3A_111, %swap3A_112] : memref<1x1280xf32, #tpu.memory_space<vmem>>, vector<1x1280xf32>
      tpu.vector_store %arg10[%swap3A_111, %swap3A_112], %broadcast_in_dim3A_110 {strides = array<i32>} : memref<1x1280xf32, #tpu.memory_space<vmem>>, vector<1x1280xf32>,
      %broadcast_in_dim3A_114 = arith.constant 0.000000e+00 : f32
      %broadcast_in_dim3A_115 = vector.broadcast %broadcast_in_dim3A_114 : f32 to vector<1x1280xf32>
      %swap3A_116 = arith.constant 0 : index
      %swap3A_117 = arith.constant 0 : index
      %swap3A_118 = vector.load %arg11[%swap3A_116, %swap3A_117] : memref<1x1280xf32, #tpu.memory_space<vmem>>, vector<1x1280xf32>
      tpu.vector_store %arg11[%swap3A_116, %swap3A_117], %broadcast_in_dim3A_115 {strides = array<i32>} : memref<1x1280xf32, #tpu.memory_space<vmem>>, vector<1x1280xf32>,
    } else {
    }
    %get3A = arith.constant 0 : index
    %get3A_2 = arith.constant 0 : index
    %get3A_3 = vector.load %arg10[%get3A, %get3A_2] : memref<1x1280xf32, #tpu.memory_space<vmem>>, vector<1x1280xf32>
    %convert_element_type3A_4 = arith.truncf %get3A_3 : vector<1x1280xf32> to vector<1x1280xbf16>
    %get3A_5 = arith.constant 0 : index
    %get3A_6 = arith.constant 0 : index
    %get3A_7 = vector.load %arg3[%get3A_5, %get3A_6] : memref<640x1280xbf16, #tpu.memory_space<vmem>>, vector<640x1280xbf16>
    %dot_general3A = arith.constant dense<0.000000e+00> : vector<1x640xf32>
    %dot_general3A_8 = tpu.matmul %convert_element_type3A_4, %get3A_7, %dot_general3A {dimension_numbers = #tpu.dot_dimension_numbers<[1], [1], [0], [0], [0, 0, 1, 0], [], []>, transpose_lhs_hint = false} : vector<1x1280xbf16>, vector<640x1280xbf16>, vector<1x640xf32> -> vector<1x640xf32>
    %get3A_9 = arith.constant 0 : index
    %get3A_10 = arith.constant 0 : index
    %get3A_11 = vector.load %arg4[%get3A_9, %get3A_10] : memref<1x640xf32, #tpu.memory_space<vmem>>, vector<1x640xf32>
    %add3A = arith.addf %dot_general3A_8, %get3A_11 : vector<1x640xf32>
    %max3A = arith.constant 0.000000e+00 : f32
    %max3A_12 = vector.broadcast %max3A : f32 to vector<1x640xf32>
    %max3A_13 = arith.maximumf %add3A, %max3A_12 : vector<1x640xf32>
    %get3A_14 = arith.constant 0 : index
    %get3A_15 = arith.constant 0 : index
    %get3A_16 = vector.load %arg11[%get3A_14, %get3A_15] : memref<1x1280xf32, #tpu.memory_space<vmem>>, vector<1x1280xf32>
    %convert_element_type3A_17 = arith.truncf %max3A_13 : vector<1x640xf32> to vector<1x640xbf16>
    %get3A_18 = arith.constant 0 : index
    %get3A_19 = arith.constant 0 : index
    %get3A_20 = vector.load %arg5[%get3A_18, %get3A_19] : memref<1280x640xbf16, #tpu.memory_space<vmem>>, vector<1280x640xbf16>
    %dot_general3A_21 = arith.constant dense<0.000000e+00> : vector<1x1280xf32>
    %dot_general3A_22 = tpu.matmul %convert_element_type3A_17, %get3A_20, %dot_general3A_21 {dimension_numbers = #tpu.dot_dimension_numbers<[1], [1], [0], [0], [0, 0, 1, 0], [], []>, transpose_lhs_hint = false} : vector<1x640xbf16>, vector<1280x640xbf16>, vector<1x1280xf32> -> vector<1x1280xf32>
    %add3A_23 = arith.addf %get3A_16, %dot_general3A_22 : vector<1x1280xf32>
    %swap3A = arith.constant 0 : index
    %swap3A_24 = arith.constant 0 : index
    %swap3A_25 = vector.load %arg11[%swap3A, %swap3A_24] : memref<1x1280xf32, #tpu.memory_space<vmem>>, vector<1x1280xf32>
    tpu.vector_store %arg11[%swap3A, %swap3A_24], %add3A_23 {strides = array<i32>} : memref<1x1280xf32, #tpu.memory_space<vmem>>, vector<1x1280xf32>,
    %eq3A_26 = arith.constant 7 : i32
    %eq3A_27 = arith.cmpi eq, %arg0, %eq3A_26 : i32
    %convert_element_type3A_28 = arith.extui %eq3A_27 : i1 to i32
    %cond3A_29 = arith.constant 0 : i32
    %cond3A_30 = arith.cmpi ne, %convert_element_type3A_28, %cond3A_29 : i32
    scf.if %cond3A_30 {
      %get3A_31 = arith.constant 0 : index
      %get3A_32 = arith.constant 0 : index
      %get3A_33 = vector.load %arg11[%get3A_31, %get3A_32] : memref<1x1280xf32, #tpu.memory_space<vmem>>, vector<1x1280xf32>
      %get3A_34 = arith.constant 0 : index
      %get3A_35 = arith.constant 0 : index
      %get3A_36 = vector.load %arg6[%get3A_34, %get3A_35] : memref<1x1280xf32, #tpu.memory_space<vmem>>, vector<1x1280xf32>
      %add3A_37 = arith.addf %get3A_33, %get3A_36 : vector<1x1280xf32>
      %convert_element_type3A_38 = arith.truncf %add3A_37 : vector<1x1280xf32> to vector<1x1280xbf16>
      %get3A_39 = arith.constant 0 : index
      %get3A_40 = arith.constant 0 : index
      %get3A_41 = vector.load %arg7[%get3A_39, %get3A_40] : memref<1280x1280xbf16, #tpu.memory_space<vmem>>, vector<1280x1280xbf16>
      %dot_general3A_42 = arith.constant dense<0.000000e+00> : vector<1x1280xf32>
      %dot_general3A_43 = tpu.matmul %convert_element_type3A_38, %get3A_41, %dot_general3A_42 {dimension_numbers = #tpu.dot_dimension_numbers<[1], [1], [0], [0], [0, 0, 1, 0], [], []>, transpose_lhs_hint = false} : vector<1x1280xbf16>, vector<1280x1280xbf16>, vector<1x1280xf32> -> vector<1x1280xf32>
      %swap3A_44 = arith.constant 0 : index
      %swap3A_45 = arith.constant 0 : index
      %swap3A_46 = vector.load %arg8[%swap3A_44, %swap3A_45] : memref<1x1280xf32, #tpu.memory_space<vmem>>, vector<1x1280xf32>
      tpu.vector_store %arg8[%swap3A_44, %swap3A_45], %dot_general3A_43 {strides = array<i32>} : memref<1x1280xf32, #tpu.memory_space<vmem>>, vector<1x1280xf32>,
    } else {
    }
    return
  }
  func.func @transform_0(%arg0: i32) -> (i32, i32) {
    %c0_i32 = arith.constant 0 : i32
    %c0_i32_0 = arith.constant 0 : i32
    %c0_i32_1 = arith.constant 0 : i32
    return %c0_i32, %c0_i32_0 : i32, i32
  }
  func.func @transform_1(%arg0: i32) -> (i32, i32) {
    %c0_i32 = arith.constant 0 : i32
    %c0_i32_0 = arith.constant 0 : i32
    %c0_i32_1 = arith.constant 0 : i32
    return %c0_i32, %c0_i32_0 : i32, i32
  }
  func.func @transform_2(%arg0: i32) -> (i32, i32) {
    %c0_i32 = arith.constant 0 : i32
    %c0_i32_0 = arith.constant 0 : i32
    return %arg0, %c0_i32 : i32, i32
  }
  func.func @transform_3(%arg0: i32) -> (i32, i32) {
    %c0_i32 = arith.constant 0 : i32
    %c0_i32_0 = arith.constant 0 : i32
    return %c0_i32, %arg0 : i32, i32
  }
  func.func @transform_4(%arg0: i32) -> (i32, i32) {
    %c0_i32 = arith.constant 0 : i32
    %c0_i32_0 = arith.constant 0 : i32
    return %c0_i32, %arg0 : i32, i32
  }
  func.func @transform_5(%arg0: i32) -> (i32, i32) {
    %c0_i32 = arith.constant 0 : i32
    %c0_i32_0 = arith.constant 0 : i32
    %c0_i32_1 = arith.constant 0 : i32
    return %c0_i32, %c0_i32_0 : i32, i32
  }
  func.func @transform_6(%arg0: i32) -> (i32, i32) {
    %c0_i32 = arith.constant 0 : i32
    %c0_i32_0 = arith.constant 0 : i32
    %c0_i32_1 = arith.constant 0 : i32
    return %c0_i32, %c0_i32_0 : i32, i32
  }
  func.func @transform_7(%arg0: i32) -> (i32, i32) {
    %c0_i32 = arith.constant 0 : i32
    %c0_i32_0 = arith.constant 0 : i32
    %c0_i32_1 = arith.constant 0 : i32
    return %c0_i32, %c0_i32_0 : i32, i32
  }
  func.func @transform_8(%arg0: i32) -> (i32, i32) {
    %c0_i32 = arith.constant 0 : i32
    %c0_i32_0 = arith.constant 0 : i32
    %c0_i32_1 = arith.constant 0 : i32
    return %c0_i32, %c0_i32_0 : i32, i32
  }
}

module attributes {stable_mosaic.version = 14 : i64} {
  func.func @_main_body(%arg0: i32, %arg1: memref<2560x128xf32, #tpu.memory_space<vmem>>, %arg2: memref<1280x16xf32, #tpu.memory_space<vmem>>, %arg3: memref<272x20xbf16, #tpu.memory_space<vmem>>, %arg4: memref<272x1280xbf16, #tpu.memory_space<vmem>>, %arg5: memref<1x20xf32, #tpu.memory_space<vmem>>, %arg6: memref<1x1280xf32, #tpu.memory_space<vmem>>, %arg7: memref<20x1280xf32, #tpu.memory_space<vmem>>, %arg8: memref<2x20xf32, #tpu.memory_space<vmem>>, %arg9: memref<20x1280xf32, #tpu.memory_space<vmem>>) attributes {dimension_semantics = [#tpu.dimension_semantics<arbitrary>], iteration_bounds = array<i64: 250>, scalar_prefetch = 0 : i64, scratch_operands = 0 : i64, tpu.core_type = #tpu.core_type<tc>, window_params = [{transform_indices = @transform_0, window_bounds = array<i64: 2560, 128>}, {transform_indices = @transform_1, window_bounds = array<i64: 1280, 16>}, {pipeline_mode = #tpu.pipeline_mode<synchronous>, transform_indices = @transform_2, window_bounds = array<i64: 272, 20>}, {pipeline_mode = #tpu.pipeline_mode<synchronous>, transform_indices = @transform_3, window_bounds = array<i64: 272, 1280>}, {pipeline_mode = #tpu.pipeline_mode<synchronous>, transform_indices = @transform_4, window_bounds = array<i64: 1, 20>}, {pipeline_mode = #tpu.pipeline_mode<synchronous>, transform_indices = @transform_5, window_bounds = array<i64: 1, 1280>}, {transform_indices = @transform_6, window_bounds = array<i64: 20, 1280>}, {pipeline_mode = #tpu.pipeline_mode<synchronous>, transform_indices = @transform_7, window_bounds = array<i64: 2, 20>}, {pipeline_mode = #tpu.pipeline_mode<synchronous>, transform_indices = @transform_8, window_bounds = array<i64: 20, 1280>}]} {
    %eq3A = arith.constant 0 : i32
    %eq3A_0 = arith.cmpi eq, %arg0, %eq3A : i32
    %convert_element_type3A = arith.extui %eq3A_0 : i1 to i32
    %cond3A = arith.constant 0 : i32
    %cond3A_1 = arith.cmpi ne, %convert_element_type3A, %cond3A : i32
    scf.if %cond3A_1 {
      %broadcast_in_dim3A_89 = arith.constant 0.000000e+00 : f32
      %broadcast_in_dim3A_90 = vector.broadcast %broadcast_in_dim3A_89 : f32 to vector<2x20xf32>
      %swap3A_91 = arith.constant 0 : index
      %swap3A_92 = arith.constant 0 : index
      %swap3A_93 = vector.load %arg8[%swap3A_91, %swap3A_92] : memref<2x20xf32, #tpu.memory_space<vmem>>, vector<2x20xf32>
      tpu.vector_store %arg8[%swap3A_91, %swap3A_92], %broadcast_in_dim3A_90 {strides = array<i32>} : memref<2x20xf32, #tpu.memory_space<vmem>>, vector<2x20xf32>,
      %broadcast_in_dim3A_94 = arith.constant 0.000000e+00 : f32
      %broadcast_in_dim3A_95 = vector.broadcast %broadcast_in_dim3A_94 : f32 to vector<20x1280xf32>
      %swap3A_96 = arith.constant 0 : index
      %swap3A_97 = arith.constant 0 : index
      %swap3A_98 = vector.load %arg9[%swap3A_96, %swap3A_97] : memref<20x1280xf32, #tpu.memory_space<vmem>>, vector<20x1280xf32>
      tpu.vector_store %arg9[%swap3A_96, %swap3A_97], %broadcast_in_dim3A_95 {strides = array<i32>} : memref<20x1280xf32, #tpu.memory_space<vmem>>, vector<20x1280xf32>,
    } else {
    }
    %get3A = arith.constant 0 : index
    %get3A_2 = arith.constant 0 : index
    %get3A_3 = vector.load %arg1[%get3A, %get3A_2] : memref<2560x128xf32, #tpu.memory_space<vmem>>, vector<1280x128xf32>
    %convert_element_type3A_4 = arith.truncf %get3A_3 : vector<1280x128xf32> to vector<1280x128xbf16>
    %get3A_5 = arith.constant 0 : index
    %get3A_6 = arith.constant 0 : index
    %get3A_7 = vector.load %arg2[%get3A_5, %get3A_6] : memref<1280x16xf32, #tpu.memory_space<vmem>>, vector<1280x16xf32>
    %convert_element_type3A_8 = arith.truncf %get3A_7 : vector<1280x16xf32> to vector<1280x16xbf16>
    %get3A_9 = arith.constant 1280 : index
    %get3A_10 = arith.constant 0 : index
    %get3A_11 = vector.load %arg1[%get3A_9, %get3A_10] : memref<2560x128xf32, #tpu.memory_space<vmem>>, vector<1280x128xf32>
    %convert_element_type3A_12 = arith.truncf %get3A_11 : vector<1280x128xf32> to vector<1280x128xbf16>
    %concatenate3A = tpu.concatenate %convert_element_type3A_4, %convert_element_type3A_8, %convert_element_type3A_12 in 1 : vector<1280x128xbf16>, vector<1280x16xbf16>, vector<1280x128xbf16> -> vector<1280x272xbf16>
    %get3A_13 = arith.constant 0 : index
    %get3A_14 = arith.constant 0 : index
    %get3A_15 = vector.load %arg3[%get3A_13, %get3A_14] : memref<272x20xbf16, #tpu.memory_space<vmem>>, vector<272x20xbf16>
    %dot_general3A = arith.constant dense<0.000000e+00> : vector<1280x20xf32>
    %dot_general3A_16 = tpu.matmul %concatenate3A, %get3A_15, %dot_general3A {dimension_numbers = #tpu.dot_dimension_numbers<[1], [0], [0], [1], [0, 0, 1, 1], [], []>, transpose_lhs_hint = false} : vector<1280x272xbf16>, vector<272x20xbf16>, vector<1280x20xf32> -> vector<1280x20xf32>
    %get3A_17 = arith.constant 0 : index
    %get3A_18 = arith.constant 0 : index
    %get3A_19 = vector.load %arg5[%get3A_17, %get3A_18] : memref<1x20xf32, #tpu.memory_space<vmem>>, vector<1x20xf32>
    %add3A = vector.broadcast %get3A_19 : vector<1x20xf32> to vector<1280x20xf32>
    %add3A_20 = arith.addf %dot_general3A_16, %add3A : vector<1280x20xf32>
    %max3A = arith.constant 0.000000e+00 : f32
    %max3A_21 = vector.broadcast %max3A : f32 to vector<1280x20xf32>
    %max3A_22 = arith.maximumf %add3A_20, %max3A_21 : vector<1280x20xf32>
    %mul3A = arith.constant 1.250000e-01 : f32
    %mul3A_23 = vector.broadcast %mul3A : f32 to vector<1280x20xf32>
    %mul3A_24 = arith.mulf %max3A_22, %mul3A_23 : vector<1280x20xf32>
    %transpose3A = tpu.transpose %mul3A_24, [1, 0] : vector<1280x20xf32> -> vector<20x1280xf32>
    %swap3A = arith.constant 0 : index
    %swap3A_25 = arith.constant 0 : index
    %swap3A_26 = vector.load %arg7[%swap3A, %swap3A_25] : memref<20x1280xf32, #tpu.memory_space<vmem>>, vector<20x1280xf32>
    tpu.vector_store %arg7[%swap3A, %swap3A_25], %transpose3A {strides = array<i32>} : memref<20x1280xf32, #tpu.memory_space<vmem>>, vector<20x1280xf32>,
    %get3A_27 = arith.constant 0 : index
    %get3A_28 = arith.constant 0 : index
    %get3A_29 = vector.load %arg4[%get3A_27, %get3A_28] : memref<272x1280xbf16, #tpu.memory_space<vmem>>, vector<272x1280xbf16>
    %dot_general3A_30 = arith.constant dense<0.000000e+00> : vector<1280x1280xf32>
    %dot_general3A_31 = tpu.matmul %concatenate3A, %get3A_29, %dot_general3A_30 {dimension_numbers = #tpu.dot_dimension_numbers<[1], [0], [0], [1], [0, 0, 1, 1], [], []>, transpose_lhs_hint = false} : vector<1280x272xbf16>, vector<272x1280xbf16>, vector<1280x1280xf32> -> vector<1280x1280xf32>
    %get3A_32 = arith.constant 0 : index
    %get3A_33 = arith.constant 0 : index
    %get3A_34 = vector.load %arg6[%get3A_32, %get3A_33] : memref<1x1280xf32, #tpu.memory_space<vmem>>, vector<1x1280xf32>
    %add3A_35 = vector.broadcast %get3A_34 : vector<1x1280xf32> to vector<1280x1280xf32>
    %add3A_36 = arith.addf %dot_general3A_31, %add3A_35 : vector<1280x1280xf32>
    %mul3A_37 = arith.constant 5.000000e-01 : f32
    %mul3A_38 = vector.broadcast %mul3A_37 : f32 to vector<1280x1280xf32>
    %mul3A_39 = arith.mulf %mul3A_38, %add3A_36 : vector<1280x1280xf32>
    %mul3A_40 = arith.constant 0.707106769 : f32
    %mul3A_41 = vector.broadcast %mul3A_40 : f32 to vector<1280x1280xf32>
    %mul3A_42 = arith.mulf %add3A_36, %mul3A_41 : vector<1280x1280xf32>
    %erf3A = math.erf %mul3A_42 : vector<1280x1280xf32>
    %add3A_43 = arith.constant 1.000000e+00 : f32
    %add3A_44 = vector.broadcast %add3A_43 : f32 to vector<1280x1280xf32>
    %add3A_45 = arith.addf %add3A_44, %erf3A : vector<1280x1280xf32>
    %mul3A_46 = arith.mulf %mul3A_39, %add3A_45 : vector<1280x1280xf32>
    %get3A_47 = arith.constant 0 : index
    %get3A_48 = arith.constant 0 : index
    %get3A_49 = vector.load %arg8[%get3A_47, %get3A_48] : memref<2x20xf32, #tpu.memory_space<vmem>>, vector<1x20xf32>
    %get3A_50 = arith.constant 1 : index
    %get3A_51 = arith.constant 0 : index
    %get3A_52 = vector.load %arg8[%get3A_50, %get3A_51] : memref<2x20xf32, #tpu.memory_space<vmem>>, vector<1x20xf32>
    %reduce_max3A = arith.constant dense<0xFF800000> : vector<20xf32>
    %reduce_max3A_53 = vector.multi_reduction <maximumf>, %mul3A_24, %reduce_max3A [0] : vector<1280x20xf32> to vector<20xf32>
    %broadcast_in_dim3A = vector.shape_cast %reduce_max3A_53 : vector<20xf32> to vector<1x20xf32>
    %max3A_54 = arith.maximumf %get3A_49, %broadcast_in_dim3A : vector<1x20xf32>
    %sub3A = arith.subf %get3A_49, %max3A_54 : vector<1x20xf32>
    %exp3A = math.exp %sub3A : vector<1x20xf32>
    %sub3A_55 = vector.broadcast %max3A_54 : vector<1x20xf32> to vector<1280x20xf32>
    %sub3A_56 = arith.subf %mul3A_24, %sub3A_55 : vector<1280x20xf32>
    %exp3A_57 = math.exp %sub3A_56 : vector<1280x20xf32>
    %swap3A_58 = arith.constant 0 : index
    %swap3A_59 = arith.constant 0 : index
    %swap3A_60 = vector.load %arg8[%swap3A_58, %swap3A_59] : memref<2x20xf32, #tpu.memory_space<vmem>>, vector<1x20xf32>
    tpu.vector_store %arg8[%swap3A_58, %swap3A_59], %max3A_54 {strides = array<i32>} : memref<2x20xf32, #tpu.memory_space<vmem>>, vector<1x20xf32>,
    %mul3A_61 = arith.mulf %get3A_52, %exp3A : vector<1x20xf32>
    %reduce_sum3A = arith.constant dense<0.000000e+00> : vector<20xf32>
    %reduce_sum3A_62 = vector.multi_reduction <add>, %exp3A_57, %reduce_sum3A [0] : vector<1280x20xf32> to vector<20xf32>
    %broadcast_in_dim3A_63 = vector.shape_cast %reduce_sum3A_62 : vector<20xf32> to vector<1x20xf32>
    %add3A_64 = arith.addf %mul3A_61, %broadcast_in_dim3A_63 : vector<1x20xf32>
    %swap3A_65 = arith.constant 1 : index
    %swap3A_66 = arith.constant 0 : index
    %swap3A_67 = vector.load %arg8[%swap3A_65, %swap3A_66] : memref<2x20xf32, #tpu.memory_space<vmem>>, vector<1x20xf32>
    tpu.vector_store %arg8[%swap3A_65, %swap3A_66], %add3A_64 {strides = array<i32>} : memref<2x20xf32, #tpu.memory_space<vmem>>, vector<1x20xf32>,
    %convert_element_type3A_68 = arith.truncf %exp3A_57 : vector<1280x20xf32> to vector<1280x20xbf16>
    %convert_element_type3A_69 = arith.truncf %mul3A_46 : vector<1280x1280xf32> to vector<1280x1280xbf16>
    %dot_general3A_70 = arith.constant dense<0.000000e+00> : vector<20x1280xf32>
    %dot_general3A_71 = tpu.matmul %convert_element_type3A_68, %convert_element_type3A_69, %dot_general3A_70 {dimension_numbers = #tpu.dot_dimension_numbers<[0], [0], [1], [1], [0, 1, 1, 1], [], []>, transpose_lhs_hint = false} : vector<1280x20xbf16>, vector<1280x1280xbf16>, vector<20x1280xf32> -> vector<20x1280xf32>
    %get3A_72 = arith.constant 0 : index
    %get3A_73 = arith.constant 0 : index
    %get3A_74 = vector.load %arg9[%get3A_72, %get3A_73] : memref<20x1280xf32, #tpu.memory_space<vmem>>, vector<20x1280xf32>
    %iota3A = tpu.iota {dimensions = array<i32: 0>} : vector<20x20xi32>
    %iota3A_75 = tpu.iota {dimensions = array<i32: 1>} : vector<20x20xi32>
    %broadcast_in_dim3A_76 = vector.shape_cast %exp3A : vector<1x20xf32> to vector<1x20xf32>
    %broadcast_in_dim3A_77 = vector.broadcast %broadcast_in_dim3A_76 : vector<1x20xf32> to vector<20x20xf32>
    %eq3A_78 = arith.cmpi eq, %iota3A, %iota3A_75 : vector<20x20xi32>
    %jit3A = arith.constant 0.000000e+00 : f32
    %broadcast_in_dim3A_79 = vector.broadcast %jit3A : f32 to vector<20x20xf32>
    %select_n3A = arith.select %eq3A_78, %broadcast_in_dim3A_77, %broadcast_in_dim3A_79 : vector<20x20xi1>, vector<20x20xf32>
    %reduce_sum3A_80 = arith.constant dense<0.000000e+00> : vector<20xf32>
    %reduce_sum3A_81 = vector.multi_reduction <add>, %select_n3A, %reduce_sum3A_80 [1] : vector<20x20xf32> to vector<20xf32>
    %broadcast_in_dim3A_82 = vector.shape_cast %reduce_sum3A_81 : vector<20xf32> to vector<20x1xf32>
    %mul3A_83 = vector.broadcast %broadcast_in_dim3A_82 : vector<20x1xf32> to vector<20x1280xf32>
    %mul3A_84 = arith.mulf %get3A_74, %mul3A_83 : vector<20x1280xf32>
    %add3A_85 = arith.addf %mul3A_84, %dot_general3A_71 : vector<20x1280xf32>
    %swap3A_86 = arith.constant 0 : index
    %swap3A_87 = arith.constant 0 : index
    %swap3A_88 = vector.load %arg9[%swap3A_86, %swap3A_87] : memref<20x1280xf32, #tpu.memory_space<vmem>>, vector<20x1280xf32>
    tpu.vector_store %arg9[%swap3A_86, %swap3A_87], %add3A_85 {strides = array<i32>} : memref<20x1280xf32, #tpu.memory_space<vmem>>, vector<20x1280xf32>,
    return
  }
  func.func @transform_0(%arg0: i32) -> (i32, i32) {
    %c0_i32 = arith.constant 0 : i32
    %c0_i32_0 = arith.constant 0 : i32
    return %arg0, %c0_i32 : i32, i32
  }
  func.func @transform_1(%arg0: i32) -> (i32, i32) {
    %c0_i32 = arith.constant 0 : i32
    %c0_i32_0 = arith.constant 0 : i32
    return %arg0, %c0_i32 : i32, i32
  }
  func.func @transform_2(%arg0: i32) -> (i32, i32) {
    %c0_i32 = arith.constant 0 : i32
    %c0_i32_0 = arith.constant 0 : i32
    %c0_i32_1 = arith.constant 0 : i32
    return %c0_i32, %c0_i32_0 : i32, i32
  }
  func.func @transform_3(%arg0: i32) -> (i32, i32) {
    %c0_i32 = arith.constant 0 : i32
    %c0_i32_0 = arith.constant 0 : i32
    %c0_i32_1 = arith.constant 0 : i32
    return %c0_i32, %c0_i32_0 : i32, i32
  }
  func.func @transform_4(%arg0: i32) -> (i32, i32) {
    %c0_i32 = arith.constant 0 : i32
    %c0_i32_0 = arith.constant 0 : i32
    %c0_i32_1 = arith.constant 0 : i32
    return %c0_i32, %c0_i32_0 : i32, i32
  }
  func.func @transform_5(%arg0: i32) -> (i32, i32) {
    %c0_i32 = arith.constant 0 : i32
    %c0_i32_0 = arith.constant 0 : i32
    %c0_i32_1 = arith.constant 0 : i32
    return %c0_i32, %c0_i32_0 : i32, i32
  }
  func.func @transform_6(%arg0: i32) -> (i32, i32) {
    %c0_i32 = arith.constant 0 : i32
    %c0_i32_0 = arith.constant 0 : i32
    return %c0_i32, %arg0 : i32, i32
  }
  func.func @transform_7(%arg0: i32) -> (i32, i32) {
    %c0_i32 = arith.constant 0 : i32
    %c0_i32_0 = arith.constant 0 : i32
    %c0_i32_1 = arith.constant 0 : i32
    return %c0_i32, %c0_i32_0 : i32, i32
  }
  func.func @transform_8(%arg0: i32) -> (i32, i32) {
    %c0_i32 = arith.constant 0 : i32
    %c0_i32_0 = arith.constant 0 : i32
    %c0_i32_1 = arith.constant 0 : i32
    return %c0_i32, %c0_i32_0 : i32, i32
  }
}

module attributes {stable_mosaic.version = 14 : i64} {
  func.func @_att_body(%arg0: i32, %arg1: memref<20x6400xf32, #tpu.memory_space<vmem>>, %arg2: memref<2x20xf32, #tpu.memory_space<vmem>>, %arg3: memref<6400x20xf32, #tpu.memory_space<vmem>>) attributes {dimension_semantics = [#tpu.dimension_semantics<arbitrary>], iteration_bounds = array<i64: 50>, scalar_prefetch = 0 : i64, scratch_operands = 0 : i64, tpu.core_type = #tpu.core_type<tc>, window_params = [{transform_indices = @transform_0, window_bounds = array<i64: 20, 6400>}, {pipeline_mode = #tpu.pipeline_mode<synchronous>, transform_indices = @transform_1, window_bounds = array<i64: 2, 20>}, {transform_indices = @transform_2, window_bounds = array<i64: 6400, 20>}]} {
    %get3A = arith.constant 0 : index
    %get3A_0 = arith.constant 0 : index
    %get3A_1 = vector.load %arg2[%get3A, %get3A_0] : memref<2x20xf32, #tpu.memory_space<vmem>>, vector<1x20xf32>
    %iota3A = tpu.iota {dimensions = array<i32: 0>} : vector<20x20xi32>
    %iota3A_2 = tpu.iota {dimensions = array<i32: 1>} : vector<20x20xi32>
    %broadcast_in_dim3A = vector.shape_cast %get3A_1 : vector<1x20xf32> to vector<1x20xf32>
    %broadcast_in_dim3A_3 = vector.broadcast %broadcast_in_dim3A : vector<1x20xf32> to vector<20x20xf32>
    %eq3A = arith.cmpi eq, %iota3A, %iota3A_2 : vector<20x20xi32>
    %jit3A = arith.constant 0.000000e+00 : f32
    %broadcast_in_dim3A_4 = vector.broadcast %jit3A : f32 to vector<20x20xf32>
    %select_n3A = arith.select %eq3A, %broadcast_in_dim3A_3, %broadcast_in_dim3A_4 : vector<20x20xi1>, vector<20x20xf32>
    %reduce_sum3A = arith.constant dense<0.000000e+00> : vector<20xf32>
    %reduce_sum3A_5 = vector.multi_reduction <add>, %select_n3A, %reduce_sum3A [1] : vector<20x20xf32> to vector<20xf32>
    %broadcast_in_dim3A_6 = vector.shape_cast %reduce_sum3A_5 : vector<20xf32> to vector<20x1xf32>
    %get3A_7 = arith.constant 1 : index
    %get3A_8 = arith.constant 0 : index
    %get3A_9 = vector.load %arg2[%get3A_7, %get3A_8] : memref<2x20xf32, #tpu.memory_space<vmem>>, vector<1x20xf32>
    %iota3A_10 = tpu.iota {dimensions = array<i32: 0>} : vector<20x20xi32>
    %iota3A_11 = tpu.iota {dimensions = array<i32: 1>} : vector<20x20xi32>
    %broadcast_in_dim3A_12 = vector.shape_cast %get3A_9 : vector<1x20xf32> to vector<1x20xf32>
    %broadcast_in_dim3A_13 = vector.broadcast %broadcast_in_dim3A_12 : vector<1x20xf32> to vector<20x20xf32>
    %eq3A_14 = arith.cmpi eq, %iota3A_10, %iota3A_11 : vector<20x20xi32>
    %jit3A_15 = arith.constant 0.000000e+00 : f32
    %broadcast_in_dim3A_16 = vector.broadcast %jit3A_15 : f32 to vector<20x20xf32>
    %select_n3A_17 = arith.select %eq3A_14, %broadcast_in_dim3A_13, %broadcast_in_dim3A_16 : vector<20x20xi1>, vector<20x20xf32>
    %reduce_sum3A_18 = arith.constant dense<0.000000e+00> : vector<20xf32>
    %reduce_sum3A_19 = vector.multi_reduction <add>, %select_n3A_17, %reduce_sum3A_18 [1] : vector<20x20xf32> to vector<20xf32>
    %broadcast_in_dim3A_20 = vector.shape_cast %reduce_sum3A_19 : vector<20xf32> to vector<20x1xf32>
    %get3A_21 = arith.constant 0 : index
    %get3A_22 = arith.constant 0 : index
    %get3A_23 = vector.load %arg1[%get3A_21, %get3A_22] : memref<20x6400xf32, #tpu.memory_space<vmem>>, vector<20x6400xf32>
    %sub3A = vector.broadcast %broadcast_in_dim3A_6 : vector<20x1xf32> to vector<20x6400xf32>
    %sub3A_24 = arith.subf %get3A_23, %sub3A : vector<20x6400xf32>
    %exp3A = math.exp %sub3A_24 : vector<20x6400xf32>
    %div3A = vector.broadcast %broadcast_in_dim3A_20 : vector<20x1xf32> to vector<20x6400xf32>
    %div3A_25 = arith.divf %exp3A, %div3A : vector<20x6400xf32>
    %transpose3A = tpu.transpose %div3A_25, [1, 0] : vector<20x6400xf32> -> vector<6400x20xf32>
    %swap3A = arith.constant 0 : index
    %swap3A_26 = arith.constant 0 : index
    %swap3A_27 = vector.load %arg3[%swap3A, %swap3A_26] : memref<6400x20xf32, #tpu.memory_space<vmem>>, vector<6400x20xf32>
    tpu.vector_store %arg3[%swap3A, %swap3A_26], %transpose3A {strides = array<i32>} : memref<6400x20xf32, #tpu.memory_space<vmem>>, vector<6400x20xf32>,
    return
  }
  func.func @transform_0(%arg0: i32) -> (i32, i32) {
    %c0_i32 = arith.constant 0 : i32
    %c0_i32_0 = arith.constant 0 : i32
    return %c0_i32, %arg0 : i32, i32
  }
  func.func @transform_1(%arg0: i32) -> (i32, i32) {
    %c0_i32 = arith.constant 0 : i32
    %c0_i32_0 = arith.constant 0 : i32
    %c0_i32_1 = arith.constant 0 : i32
    return %c0_i32, %c0_i32_0 : i32, i32
  }
  func.func @transform_2(%arg0: i32) -> (i32, i32) {
    %c0_i32 = arith.constant 0 : i32
    %c0_i32_0 = arith.constant 0 : i32
    return %arg0, %c0_i32 : i32, i32
  }
}

</mosaic_0001>

<sc_bundles>
// kernel: kernel.6.cloned.1.call-start
scs
__scs_entry_jumppad:
0x0: {  	(pc) =	sbr.rel $0x88, $3  }
0x1: {  	(tag) =	ssettag $0x0;
	lr =	simm.s32 $0x1  }
0x2: {  	[smem:$0x3F95] =	sst lr;
	_ =	strace $0xD0000000  }
0x3: {  	_ = 	snop  }
0x4: {  	_ = 	snop  }
0x5: {  	_ = 	snop  }
0x6: {  	_ = 	snop  }
0x7: {  	_ = 	snop  }
__scs_overlays_trampoline_lowered:
0x8: {  	[smem:$0x3FA4] =	sst s0  }
0x9: {  	[smem:$0x3FA5] =	sst s1  }
0xa: {  	[smem:$0x3FA6] =	sst s2  }
0xb: {  	[smem:$0x3FA7] =	sst s3  }
0xc: {  	[smem:$0x3FA8] =	sst s4  }
0xd: {  	[smem:$0x3FA9] =	sst s5  }
0xe: {  	[smem:$0x3FAA] =	sst s6  }
0xf: {  	[smem:$0x3FAB] =	sst s7  }
0x10: {  	[smem:$0x3FAC] =	sst s8  }
0x11: {  	[smem:$0x3FAD] =	sst s9;
	s0 =	simm.s32 @!p0 $0x0  }
0x12: {  	s1 =	sld [smem:$0x3F93];
	s0 =	simm.s32 @p0 $0x1  }
0x13: {  	[smem:$0x3FAE] =	sst s0;
	s0 =	simm.s32 @!p1 $0x0  }
0x14: {  	s2 =	sld [smem:$0x3F92];
	s0 =	simm.s32 @p1 $0x1  }
0x15: {  	[smem:$0x3FAF] =	sst s0;
	s0 =	simm.s32 @!p2 $0x0  }
0x16: {  	s3 =	sld [smem:$0x3FDB];
	s0 =	simm.s32 @p2 $0x1  }
0x17: {  	s4 =	simm.s32 $0x1BF5;
	[smem:$0x3FB1] =	sst s0  }
0x18: {  	s0 =	sld [smem:$0x3F94];
	_ =	swait.ge [sflag:s4], $0x0  }
0x19: {  	s7 =	sld [smem:$0x3F95]  }
0x1a: {  	s8 =	sadd.s32 $0xFFFFE003, lr  }
0x1b: {  	s9 =	sadd.s32 $0xFFFFFEF7, lr;
	s5 =	simm.s32 $0xFFFFFFFF;
	p2 =	slt.u32 s8, $0xFFFFF086  }
0x1c: {  	p1 =	slt.u32 s9, $0xF7A;
	s5 =	simm.s32 @!p2 $0x0  }
0x1d: {  	s5 =	simm.s32 @p1 $0x1;
	p0 =	seq.s32 s7, s2  }
0x1e: {  	s7 =	smul.u32 @!p0 $0xF7A, s2;
	p2 =	seq.s32 @!p0 s5, $0x0  }
0x1f: {  	s9 =	smul.u32 $0xF7A, s1;
	s8 =	simm.s32 @!p0 $0x1BF5;
	p2 =	por !p2, p0  }
0x20: {  	[sflag:s8] =	ssyncset.s32 @!p0 $0xFFFFF086;
	s6 =	sadd.s32 @!p0 s3, s7;
	s7 =	simm.s32 @!p0 $0x108  }
0x21: {  	s3 =	sadd.s32 s3, s9;
	s6 =	sadd.s32 @!p0 $0x88, s6;
	s7 =	simm.s32 @p2 $0x1082  }
0x22: {  	[simem:s7], [sflag:s8] =	dma.local @!p0 [hbm:s6], $0xF7A  }
0x23: {  	s9 =	sor.u32 $0xD0000000, s2;
	s6 =	simm.s32 $0x108;
	_ =	swait.ge @!p0 [sflag:s8], $0x0  }
0x24: {  	s3 =	sadd.s32 $0x88, s3;
	s6 =	simm.s32 @!p1 $0x1082;
	[sflag:s4] =	ssyncset.s32 $0xFFFFF086  }
0x25: {  	[simem:s6], [sflag:s4] =	dma.local [hbm:s3], $0xF7A  }
0x26: {  	[smem:$0x3F95] =	sst s1;
	(tag) =	ssettag s2;
	_ =	strace s9  }
0x27: {  	s1 =	sld [smem:$0x3FA5]  }
0x28: {  	s2 =	sld [smem:$0x3FA6]  }
0x29: {  	s4 =	sld [smem:$0x3FA8]  }
0x2a: {  	p0 =	seq.s32 s5, $0x0;
	s5 =	sld [smem:$0x3FA9]  }
0x2b: {  	s6 =	sld [smem:$0x3FAA]  }
0x2c: {  	s7 =	sld [smem:$0x3FAB]  }
0x2d: {  	s3 =	simm.s32 $0x108;
	s8 =	sld [smem:$0x3FAC]  }
0x2e: {  	s3 =	simm.s32 @!p0 $0x1082;
	s9 =	sld [smem:$0x3FAD]  }
0x2f: {  	lr =	sadd.s32 s0, s3;
	s0 =	sld [smem:$0x3FA4]  }
0x30: {  	s3 =	sld [smem:$0x3FA7]  }
0x31: {  	[smem:$0x3FB0] =	sst s10  }
0x32: {  	s10 =	sld [smem:$0x3FAE];
	_ =	sdelay $0x3  }
0x33: {  	p0 =	seq.s32 s10, $0x1;
	s10 =	sld [smem:$0x3FB0];
	_ =	sdelay $0x3  }
0x34: {  	[smem:$0x3FB0] =	sst s10  }
0x35: {  	s10 =	sld [smem:$0x3FAF];
	_ =	sdelay $0x3  }
0x36: {  	p1 =	seq.s32 s10, $0x1;
	s10 =	sld [smem:$0x3FB0];
	_ =	sdelay $0x3  }
0x37: {  	[smem:$0x3FB0] =	sst s10  }
0x38: {  	s10 =	sld [smem:$0x3FB1]  }
0x39: {  	_ = 	snop;
	(pc) =	sbr.ind lr, $3  }
0x3a: {  	_ = 	snop  }
0x3b: {  	_ = 	snop  }
0x3c: {  	p2 =	seq.s32 s10, $0x1;
	s10 =	sld [smem:$0x3FB0]  }
0x3d: {  	_ =	shalt  }
0x3e: {  	_ =	shalt  }
0x3f: {  	_ =	shalt  }
0x40: {  	_ =	shalt  }
0x41: {  	_ =	shalt  }
0x42: {  	_ =	shalt  }
0x43: {  	_ =	shalt  }
0x44: {  	_ =	shalt  }
0x45: {  	_ =	shalt  }
0x46: {  	_ =	shalt  }
0x47: {  	_ =	shalt  }
0x48: {  	_ =	shalt  }
0x49: {  	_ =	shalt  }
0x4a: {  	_ =	shalt  }
0x4b: {  	_ =	shalt  }
0x4c: {  	_ =	shalt  }
0x4d: {  	_ =	shalt  }
0x4e: {  	_ =	shalt  }
0x4f: {  	_ =	shalt  }
0x50: {  	_ =	shalt  }
0x51: {  	_ =	shalt  }
0x52: {  	_ =	shalt  }
0x53: {  	_ =	shalt  }
0x54: {  	_ =	shalt  }
0x55: {  	_ =	shalt  }
0x56: {  	_ =	shalt  }
0x57: {  	_ =	shalt  }
0x58: {  	_ =	shalt  }
0x59: {  	_ =	shalt  }
0x5a: {  	_ =	shalt  }
0x5b: {  	_ =	shalt  }
0x5c: {  	_ =	shalt  }
0x5d: {  	_ =	shalt  }
0x5e: {  	_ =	shalt  }
0x5f: {  	_ =	shalt  }
0x60: {  	_ =	shalt  }
0x61: {  	_ =	shalt  }
0x62: {  	_ =	shalt  }
0x63: {  	_ =	shalt  }
0x64: {  	_ =	shalt  }
0x65: {  	_ =	shalt  }
0x66: {  	_ =	shalt  }
0x67: {  	_ =	shalt  }
0x68: {  	_ =	shalt  }
0x69: {  	_ =	shalt  }
0x6a: {  	_ =	shalt  }
0x6b: {  	_ =	shalt  }
0x6c: {  	_ =	shalt  }
0x6d: {  	_ =	shalt  }
0x6e: {  	_ =	shalt  }
0x6f: {  	_ =	shalt  }
0x70: {  	_ =	shalt  }
0x71: {  	_ =	shalt  }
0x72: {  	_ =	shalt  }
0x73: {  	_ =	shalt  }
0x74: {  	_ =	shalt  }
0x75: {  	_ =	shalt  }
0x76: {  	_ =	shalt  }
0x77: {  	_ =	shalt  }
0x78: {  	_ =	shalt  }
0x79: {  	_ =	shalt  }
0x7a: {  	_ =	shalt  }
0x7b: {  	_ =	shalt  }
0x7c: {  	_ =	shalt  }
0x7d: {  	_ =	shalt  }
0x7e: {  	_ =	shalt  }
0x7f: {  	_ =	shalt  }
0x80: {  	_ =	shalt  }
0x81: {  	_ =	shalt  }
0x82: {  	_ =	shalt  }
0x83: {  	_ =	shalt  }
0x84: {  	_ =	shalt  }
0x85: {  	_ =	shalt  }
0x86: {  	_ =	shalt  }
0x87: {  	_ =	shalt  }
.Lfunc_end0:
.L_simem_size_0:
called_computation_lowered:
.L_overlay_start_0:
0x88: {  	s2 =	sld [smem:$0x3FD9]  }
0x89: {  	s3 =	sld [smem:$0x3FFE];
	_ =	sdelay $0x1  }
0x8a: {  	s1 =	srdreg.scid  }
0x8b: {  	s0 =	sand.u32 $0x1, s1  }
0x8c: {  	s14 =	sshll.u32 s0, $0xA;
	s2 =	sadd.s32 s3, s2  }
0x8d: {  	s2 =	sadd.s32 s2, s14  }
0x8e: {  	[smem:$0x3FBC] =	sst s2  }
0x8f: {  	_ = 	snop  }
0x90: {  	s2 =	sld [smem:$0x3FD0];
	_ =	sdelay $0x2  }
0x91: {  	s4 =	simm.s32 $0xA;
	s5 =	simm.s32 $0x10;
	s15 =	sld [smem:$0x3FC9]  }
0x92: {  	[smem:s5], [sflag:s4] =	dma.local [hbm:s2], $0x1  }
0x93: {  	_ =	swait.eq [sflag:s4], $0x1  }
0x94: {  	[sflag:s4] =	ssyncset.done $0x0  }
0x95: {  	[sflag:s4] =	ssyncadd.s32 $0xFFFFFFFF  }
0x96: {  	s16 =	sld [smem:$0x10];
	(tm) =	ssettm $0x1  }
0x97: {  	s17 =	sld [smem:$0x3FFB];
	_ =	sdelay $0x3  }
0x98: {  	_ =	strace s17  }
0x99: {  	s4 =	sld [smem:$0x3FFC];
	_ =	sdelay $0x3  }
0x9a: {  	_ =	strace s4  }
0x9b: {  	s4 =	sld [smem:$0x3FFD];
	_ =	sdelay $0x3  }
0x9c: {  	_ =	strace s4  }
0x9d: {  	_ =	strace $0x8FFFFFFF  }
0x9e: {  	s18 =	sld [smem:$0x3FDB];
	_ =	sdelay $0x1  }
0x9f: {  	s19 =	simm.s32 $_scs_section_size  }
0xa0: {  	s6 =	simm.s32 $_size__tile_overlayer_lowered;
	s7 =	simm.s32 $_tile_overlayer_lowered  }
0xa1: {  	s22 =	simm.s32 $0x1BFF;
	s21 =	sshll.u32 s7, $0x1;
	s4 =	sadd.s32 s19, s18  }
0xa2: {  	s8 =	simm.s32 $0x0;
	s20 =	sshll.u32 s6, $0x1;
	s6 =	sadd.s32 s21, s4  }
0xa3: {  	[timem:s8], [sflag:s22] =	dma.local [hbm:s6], s20  }
0xa4: {  	_ =	swait.ge [sflag:s22], s20  }
0xa5: {  	s5 =	ssub.s32 $0x0, s20;
	[sflag:s22] =	ssyncset.done $0x0  }
0xa6: {  	[sflag:s22] =	ssyncadd.s32 s5;
	_ =	sdelay $0x1  }
0xa7: {  	s23 =	simm.s32 $0x1B8B  }
0xa8: {  	_ =	swait.ge [sflag:s23], $0x1  }
0xa9: {  	[sflag:s23] =	ssyncset.done $0x0  }
0xaa: {  	s25 =	simm.s32 $0x1B8E;
	s24 =	sld [smem:$0x3FFE];
	[sflag:s23] =	ssyncadd.s32 $0xFFFFFFFF  }
0xab: {  	s26 =	simm.s32 $execute0_lowered;
	[smem:$0x3FD2] =	sst s25  }
0xac: {  	s6 =	sshll.u32 s26, $0x1;
	_ =	strace $0x80000046;
	[dreg:$0x1] =	wrdreg $0xFFFFFFFF  }
0xad: {  	s28 =	simm.s32 $_size_execute0_lowered;
	s4 =	sadd.s32 s4, s6;
	[dreg:$0x0] =	wrdreg $0x0  }
0xae: {  	s6 =	sshll.u32 s28, $0x1;
	[dreg:$0x2] =	wrdreg s4  }
0xaf: {  	[dreg:$0x3] =	wrdreg s6  }
0xb0: {  	[dreg:$0x4] =	wrdreg $0xC0  }
0xb1: {  	_ =	task [dreg:s8], $0x5FFFF  }
0xb2: {  	[dreg:$0x1] =	wrdreg $0xFFFFFFFF  }
0xb3: {  	[dreg:$0x0] =	wrdreg $0x60  }
0xb4: {  	[dreg:$0x2] =	wrdreg s15  }
0xb5: {  	[dreg:$0x3] =	wrdreg s16  }
0xb6: {  	[dreg:$0x4] =	wrdreg s24  }
0xb7: {  	[dreg:$0x5] =	wrdreg $0x9  }
0xb8: {  	_ =	task.clear_ibuf [dreg:s8], $0x6FFFF;
	_ =	strace $0x90000046  }
0xb9: {  	s29 =	simm.s32 $0x9;
	_ =	strace $0x80000048  }
0xba: {  	_ =	swait.ge [sflag:s29], $0x1  }
0xbb: {  	[sflag:s29] =	ssyncadd.s32 $0xFFFFFFFF  }
0xbc: {  	_ =	strace $0x90000048  }
0xbd: {  	_ =	sfence  }
0xbe: {  	s30 =	sld [smem:$0x0];
	_ =	sdelay $0x2  }
0xbf: {  	s31 =	sshll.u32 s1, $0xD;
	s1 =	sshrl.u32 s1, $0x2  }
0xc0: {  	s3 =	sand.u32 $0x4000, s31;
	s1 =	sadd.s32 s1, s30  }
0xc1: {  	s0 =	sor.u32 s3, s0;
	s1 =	sshll.u32 s1, $0x11  }
0xc2: {  	s0 =	sor.u32 s1, s0  }
0xc3: {  	s0 =	sadd.s32 $0x8F2B, s0  }
0xc4: {  	[sflag:s0] =	ssyncadd.remote.s32 $0x1  }
0xc5: {  	_ =	sfence.sel $0xFFFF  }
0xc6: {  	[dreg:$0x0] =	wrdreg $0xFFFFFFFF;
	(pc) =	sbr.abs _section_cstart, $3  }
0xc7: {  	[dreg:$0x1] =	wrdreg $0xFFFFFFFF  }
0xc8: {  	_ =	task.clear_ibuf [dreg:s8], $0x2FFFF;
	_ =	strace $0x9FFFFFFF  }
0xc9: {  	(tm) =	ssettm $0x7FFFFFFF  }
tec
execute0_lowered:
.L_overlay_start_1:
0x0: {  	(tag) =	ssettag $0x1  }
0x1: {  	s1 =	rddreg [dreg:$0x0]  }
0x2: {  	s0 =	rddreg [dreg:$0x1]  }
0x3: {  	s2 =	rddreg [dreg:$0x2];
	s4 =	srdreg.scid  }
0x4: {  	s10 =	stileid.u32;
	s3 =	simm.s32 $0x0;
	s11 =	simm.s32 $0x80  }
0x5: {  	s12 =	simm.s32 $0x5000;
	s13 =	simm.s32 $0x9000;
	s14 =	simm.s32 $0xD000  }
0x6: {  	s15 =	simm.s32 $0x11000;
	s16 =	simm.s32 $0x1;
	s17 =	simm.s32 $0x2  }
0x7: {  	s5 =	sand.u32 $0x1, s4;
	s25 =	sshll.u32 s10, $0x1;
	[smem:$0x7FF] =	sst s3  }
0x8: {  	s4 =	sadd.s32 $0x3200, s2;
	s28 =	smul.u32 $0x28, s10;
	s10 =	simm.s32 $0x50  }
0x9: {  	s6 =	sor.u32 s5, s25;
	s26 =	ssub.s32 $0x2, s5;
	s5 =	smul.u32 $0x14, s5  }
0xa: {  	_ =	strace $0x80000047;
	s7 =	smul.u32 $0x13, s6;
	s8 =	smax.u32 s6, $0xF  }
0xb: {  	s9 =	sshrl.u32 s26, $0x1;
	p0 =	sgt.u32 s6, $0xE;
	s29 =	smin.u32 s6, $0xF  }
0xc: {  	s2 =	ssub.s32 s26, s9;
	s10 =	simm.s32 @!p0 $0x4C;
	s7 =	sadd.s32 s7, s8  }
0xd: {  	s5 =	sadd.s32 s5, s28;
	s30 =	sshrl.u32 s10, $0x1;
	s7 =	sshll.u32 s7, $0x7  }
0xe: {  	s2 =	smax.u32 s2, $0x1;
	[dreg:$0x5] =	wrdreg s30;
	s0 =	sadd.s32 s0, s7  }
0xf: {  	s31 =	ssub.s32 s5, s29;
	[dreg:$0x6] =	wrdreg s2;
	s0 =	sadd.s32 $0xFFFFF880, s0  }
0x10: {  	s18 =	simm.s32 $0x0;
	[dreg:$0x4] =	wrdreg s0;
	s0 =	sshll.u32 s31, $0x3  }
0x11: {  	s7 =	sadd.s32 $0xFFFFFFFF, s10;
	s10 =	simm.s32 $0x3;
	[dreg:$0x7] =	wrdreg s0  }
.LBB2_1:
0x12: {  	s0 =	rddreg [dreg:$0x4];
	s19 =	simm.s32 $0xFFFFF63C  }
0x13: {  	[tilespmem:s3], [sflag:$0x3] =	stream.linear.gather [hbm4b:s0+s3], $0x5000, $0x38;
	[tilespmem:$0x15000] =	vst v63  }
0x14: {  	s22 =	simm.s32 $0x180;
	s26 =	simm.s32 $0x100;
	_ =	swait.ge [sflag:s10], $0x5000  }
0x15: {  	s24 =	simm.s32 $0x500;
	[sflag:s10] =	ssyncset.done $0x0;
	s8 =	rddreg [dreg:$0x7]  }
0x16: {  	s0 =	simm.s32 $0xFFFFF63C;
	[sflag:s10] =	ssyncadd.s32 $0xFFFFB000;
	p1 =	sgt.u32 s8, $0x9C3  }
0x17: {  	[tilespmem:s12], [sflag:$0x1] =	stream.indirect.gather [hbm4b:s1+s11], $0x80, s3, s11, $0xb8;
	[tilespmem:$0x15000] =	vst v63  }
0x18: {  	s28 =	simm.s32 $0x1;
	s29 =	simm.s32 $0x500;
	s0 =	simm.s32 @!p1 $0x0  }
0x19: {  	s6 =	rddreg [dreg:$0x5];
	p2 =	sgt.u32 s8, $0x9C2;
	s0 =	sadd.s32 s8, s0  }
0x1a: {  	[tilespmem:s13], [sflag:$0x1] =	stream.indirect.gather [hbm4b:s1+s11], $0x80, s11, s11, $0xb8;
	[tilespmem:$0x15000] =	vst v63  }
0x1b: {  	p0 =	sne.s32 s6, $0x1;
	s2 =	smulhi.u32 $0x66666667, s0;
	s5 =	sshra.s32 s0, $0x1F  }
0x1c: {  	s19 =	simm.s32 @!p2 $0x0;
	s24 =	simm.s32 @!p1 $0x0;
	s5 =	smul.u32 $0x66666667, s5  }
0x1d: {  	[tilespmem:s14], [sflag:$0x2] =	stream.indirect.gather [hbm4b:s1+s11], $0x80, s26, s11, $0xb8;
	[tilespmem:$0x15000] =	vst v63  }
0x1e: {  	s29 =	simm.s32 @!p2 $0x0;
	s19 =	sadd.s32 s8, s19;
	s2 =	sadd.s32 s5, s2  }
0x1f: {  	p3 =	slt.s32 s0, $0x1;
	s5 =	sshra.s32 s2, $0x2;
	s2 =	sshrl.u32 s2, $0x1F  }
0x20: {  	[tilespmem:s15], [sflag:$0x2] =	stream.indirect.gather [hbm4b:s1+s11], $0x80, s22, s11, $0xb8;
	[tilespmem:$0x15000] =	vst v63  }
0x21: {  	s22 =	simm.s32 $0x4;
	s2 =	sadd.s32 s2, s5;
	s5 =	sadd.s32 $0x1, s19  }
0x22: {  	s19 =	sadd.s32 $0xFFFFFFFF, s6;
	_ =	swait.ge [sflag:s16], $0x4000;
	s20 =	smul.u32 $0xFFFFFFF6, s2  }
0x23: {  	s21 =	sshra.s32 s5, $0x1F;
	s25 =	smulhi.u32 $0x66666667, s5;
	[sflag:s16] =	ssyncset.done $0x0  }
0x24: {  	s6 =	sadd.s32 $0x2, s8;
	s23 =	smul.u32 $0x66666667, s21;
	[sflag:s16] =	ssyncadd.s32 $0xFFFFC000  }
0x25: {  	s0 =	sadd.s32 s0, s20;
	s20 =	sadd.s32 $0x4, s8;
	_ =	swait.ge [sflag:s16], $0x4000  }
0x26: {  	p4 =	sne.s32 s0, $0x0;
	s23 =	sadd.s32 s23, s25;
	[sflag:s16] =	ssyncset.done $0x0  }
0x27: {  	p4 =	por !p3, !p4;
	p3 =	slt.s32 s0, $0x0;
	s0 =	sshll.u32 s0, $0x7  }
0x28: {  	s9 =	sshrl.u32 s23, $0x1F;
	s23 =	sshra.s32 s23, $0x2;
	[sflag:s16] =	ssyncadd.s32 $0xFFFFC000  }
0x29: {  	p1 =	por !p4, !p4;
	s26 =	sadd.s32 $0x500, s0;
	s23 =	sadd.s32 s9, s23  }
0x2a: {  	s28 =	simm.s32 @!p1 $0x0;
	s0 =	smov.u32 @p3 s26;
	p1 =	sgt.u32 s6, $0x9C3  }
0x2b: {  	s26 =	sadd.s32 s21, s23;
	s0 =	sadd.s32 s24, s0;
	s24 =	simm.s32 $0xFFFFF63C  }
0x2c: {  	s2 =	ssub.s32 s2, s28;
	s26 =	smul.u32 $0xA00, s26;
	s24 =	simm.s32 @!p1 $0x0  }
0x2d: {  	p3 =	sgt.u32 s6, $0x9C2;
	s2 =	smul.u32 $0xA00, s2;
	s28 =	sadd.s32 s24, s6  }
0x2e: {  	s21 =	simm.s32 $0x380;
	s24 =	simm.s32 $0xFFFFF63C;
	s6 =	smulhi.u32 $0x66666667, s28  }
0x2f: {  	s0 =	sadd.s32 s2, s0;
	s9 =	sshra.s32 s28, $0x1F;
	s2 =	smul.u32 $0xFFFFFFF6, s23  }
0x30: {  	s26 =	sadd.s32 s29, s26;
	s24 =	simm.s32 @!p3 $0x0;
	s25 =	smul.u32 $0x66666667, s9  }
0x31: {  	p5 =	slt.s32 s28, $0x0;
	s0 =	sshll.u32 s0, $0x4;
	s24 =	sadd.s32 s8, s24  }
0x32: {  	s2 =	sadd.s32 s5, s2;
	s0 =	sadd.s32 s4, s0;
	s25 =	sadd.s32 s25, s6  }
0x33: {  	[hbm4b:s0+s3] =	stream.linear.scatter [tilespmem:s12], [sflag:$0x3], $0x4000, $0x38;
	[tilespmem:$0x15000] =	vst v63  }
0x34: {  	s30 =	sshll.u32 s2, $0x7;
	p2 =	slt.s32 s2, $0x0;
	s23 =	sshrl.u32 s25, $0x1F  }
0x35: {  	s2 =	sadd.s32 $0x500, s30;
	s5 =	sshra.s32 s25, $0x2;
	s25 =	sadd.s32 $0x3, s24  }
0x36: {  	_ =	swait.ge [sflag:s10], $0x4000;
	s24 =	sadd.s32 s23, s5;
	s6 =	smulhi.u32 $0x66666667, s25  }
0x37: {  	s8 =	sshra.s32 s25, $0x1F;
	s30 =	smov.u32 @p2 s2;
	s23 =	simm.s32 $0x500  }
0x38: {  	p2 =	sgt.s32 s7, $0x2;
	[sflag:s10] =	ssyncset.done $0x0;
	s9 =	smul.u32 $0x66666667, s8  }
0x39: {  	s26 =	sadd.s32 s30, s26;
	s29 =	smul.u32 $0xFFFFFFF6, s24;
	s30 =	smov.u32 s7  }
0x3a: {  	s23 =	simm.s32 @!p3 $0x0;
	[sflag:s10] =	ssyncadd.s32 $0xFFFFC000;
	s30 =	smov.u32 @p2 s17  }
0x3b: {  	s2 =	sadd.s32 s9, s6;
	s6 =	sshll.u32 s26, $0x4;
	s31 =	sadd.s32 s28, s29  }
0x3c: {  	s26 =	simm.s32 $0x500;
	s28 =	sshll.u32 s30, $0xA;
	s9 =	sshra.s32 s2, $0x2  }
.Ltmp0:
0x3d: {  	s26 =	simm.s32 @!p1 $0x0;
	p1 =	slt.s32 s31, $0x0;
	(pc) =	sbr.rel @!p0 .LBB2_3-.Ltmp0, $4  }
0x3e: {  	s29 =	sshra.s32 s28, $0x2;
	p6 =	sne.s32 s31, $0x0;
	s2 =	sshrl.u32 s2, $0x1F  }
0x3f: {  	s0 =	sadd.s32 s4, s6;
	s31 =	sshll.u32 s31, $0x7;
	s28 =	sor.u32 $0x80, s29  }
0x40: {  	p2 =	por !p5, !p6;
	s9 =	sadd.s32 s2, s9;
	s2 =	sadd.s32 $0x500, s31  }
0x41: {  	p2 =	por !p2, !p2;
	s30 =	sadd.s32 s8, s9;
	s5 =	smul.u32 $0xFFFFFFF6, s9  }
.LBB2_2:
0x42: {  	[hbm4b:s0+s3] =	stream.linear.scatter [tilespmem:s13], [sflag:$0x3], $0x4000, $0x38;
	[tilespmem:$0x15000] =	vst v63  }
0x43: {  	s31 =	smov.u32 @p1 s2;
	s2 =	simm.s32 $0x1  }
0x44: {  	s8 =	smul.u32 $0xA00, s30;
	_ =	swait.ge [sflag:s10], $0x4000;
	s0 =	sadd.s32 s25, s5  }
0x45: {  	s2 =	simm.s32 @!p2 $0x0;
	s5 =	sadd.s32 s26, s31;
	[sflag:s10] =	ssyncset.done $0x0  }
0x46: {  	s2 =	ssub.s32 s24, s2;
	s6 =	sshll.u32 s0, $0x7;
	[sflag:s10] =	ssyncadd.s32 $0xFFFFC000  }
0x47: {  	[tilespmem:s12], [sflag:$0x1] =	stream.indirect.gather [hbm4b:s1+s11], $0x80, s29, s11, $0xb8;
	[tilespmem:$0x15000] =	vst v63  }
0x48: {  	p2 =	sgt.u32 s20, $0x9C3;
	p0 =	slt.s32 s0, $0x0;
	s0 =	sadd.s32 $0x500, s6  }
0x49: {  	[tilespmem:s13], [sflag:$0x1] =	stream.indirect.gather [hbm4b:s1+s11], $0x80, s28, s11, $0xb8;
	[tilespmem:$0x15000] =	vst v63  }
0x4a: {  	s8 =	sadd.s32 s23, s8;
	s6 =	smov.u32 @p0 s0;
	_ =	swait.ge [sflag:s17], $0x4000  }
0x4b: {  	s0 =	smul.u32 $0xA00, s2;
	s2 =	sadd.s32 s6, s8;
	[sflag:s17] =	ssyncset.done $0x0  }
0x4c: {  	p0 =	sne.s32 s19, $0x1;
	s2 =	sshll.u32 s2, $0x4;
	[sflag:s17] =	ssyncadd.s32 $0xFFFFC000  }
0x4d: {  	s19 =	sadd.s32 $0xFFFFFFFF, s19;
	s0 =	sadd.s32 s0, s5;
	s5 =	simm.s32 $0xFFFFF63C  }
0x4e: {  	s5 =	simm.s32 @!p2 $0x0;
	s0 =	sshll.u32 s0, $0x4;
	_ =	swait.ge [sflag:s17], $0x4000  }
0x4f: {  	s23 =	smov.u32 s20;
	s5 =	sadd.s32 s20, s5;
	[sflag:s17] =	ssyncset.done $0x0  }
0x50: {  	s0 =	sadd.s32 s4, s0;
	s6 =	smulhi.u32 $0x66666667, s5;
	s8 =	sshra.s32 s5, $0x1F  }
0x51: {  	s24 =	smov.u32 s21;
	s8 =	smul.u32 $0x66666667, s8;
	[sflag:s17] =	ssyncadd.s32 $0xFFFFC000  }
0x52: {  	[hbm4b:s0+s3] =	stream.linear.scatter [tilespmem:s14], [sflag:$0x3], $0x4000, $0x38;
	[tilespmem:$0x15000] =	vst v63  }
0x53: {  	p1 =	sgt.u32 s20, $0x9C2;
	s30 =	simm.s32 $0x500;
	s0 =	sadd.s32 s4, s2  }
0x54: {  	s2 =	sadd.s32 s8, s6;
	s6 =	simm.s32 $0xFFFFF63C;
	_ =	swait.ge [sflag:s10], $0x4000  }
0x55: {  	s6 =	simm.s32 @!p1 $0x0;
	s8 =	sshra.s32 s2, $0x2;
	s2 =	sshrl.u32 s2, $0x1F  }
0x56: {  	[sflag:s10] =	ssyncset.done $0x0;
	s6 =	sadd.s32 s20, s6;
	s2 =	sadd.s32 s2, s8  }
0x57: {  	[sflag:s10] =	ssyncadd.s32 $0xFFFFC000;
	s25 =	sadd.s32 $0x1, s6;
	s6 =	smul.u32 $0xFFFFFFF6, s2  }
0x58: {  	[hbm4b:s0+s3] =	stream.linear.scatter [tilespmem:s15], [sflag:$0x3], $0x4000, $0x38;
	[tilespmem:$0x15000] =	vst v63  }
0x59: {  	s26 =	smov.u32 s22;
	p3 =	slt.s32 s5, $0x1;
	s0 =	sadd.s32 $0xFFFFFF80, s21  }
0x5a: {  	s8 =	sshra.s32 s25, $0x1F;
	_ =	swait.ge [sflag:s10], $0x4000;
	s5 =	sadd.s32 s5, s6  }
0x5b: {  	s6 =	simm.s32 $0x500;
	[sflag:s10] =	ssyncset.done $0x0;
	p4 =	sne.s32 s5, $0x0  }
0x5c: {  	s6 =	simm.s32 @!p2 $0x0;
	[sflag:s10] =	ssyncadd.s32 $0xFFFFC000;
	p2 =	por !p3, !p4  }
0x5d: {  	[tilespmem:s14], [sflag:$0x2] =	stream.indirect.gather [hbm4b:s1+s11], $0x80, s0, s11, $0xb8;
	[tilespmem:$0x15000] =	vst v63  }
0x5e: {  	p3 =	slt.s32 s5, $0x0;
	s5 =	sshll.u32 s5, $0x7;
	s0 =	smul.u32 $0x66666667, s8  }
0x5f: {  	s20 =	sadd.s32 $0x4, s20;
	s28 =	smulhi.u32 $0x66666667, s25;
	s29 =	sadd.s32 $0x500, s5  }
0x60: {  	p2 =	por !p2, !p2;
	s5 =	smov.u32 @p3 s29;
	s29 =	sadd.s32 $0x2, s23  }
0x61: {  	s0 =	sadd.s32 s0, s28;
	s28 =	simm.s32 $0x1;
	s5 =	sadd.s32 s6, s5  }
0x62: {  	p3 =	sgt.u32 s29, $0x9C2;
	s28 =	simm.s32 @!p2 $0x0;
	p2 =	sgt.u32 s29, $0x9C3  }
0x63: {  	s6 =	sshrl.u32 s0, $0x1F;
	s0 =	sshra.s32 s0, $0x2;
	s2 =	ssub.s32 s2, s28  }
0x64: {  	s28 =	simm.s32 $0xFFFFF63C;
	s0 =	sadd.s32 s6, s0;
	s2 =	smul.u32 $0xA00, s2  }
0x65: {  	s28 =	simm.s32 @!p2 $0x0;
	s8 =	sadd.s32 s8, s0;
	s0 =	smul.u32 $0xFFFFFFF6, s0  }
0x66: {  	s28 =	sadd.s32 s28, s29;
	s2 =	sadd.s32 s2, s5;
	s5 =	simm.s32 $0xFFFFF63C  }
0x67: {  	s30 =	simm.s32 @!p1 $0x0;
	s8 =	smul.u32 $0xA00, s8;
	s5 =	simm.s32 @!p3 $0x0  }
0x68: {  	s6 =	smulhi.u32 $0x66666667, s28;
	s29 =	sshra.s32 s28, $0x1F;
	s2 =	sshll.u32 s2, $0x4  }
0x69: {  	s21 =	sadd.s32 $0x200, s21;
	s0 =	sadd.s32 s25, s0;
	s29 =	smul.u32 $0x66666667, s29  }
0x6a: {  	s22 =	sadd.s32 $0x2, s22;
	p1 =	slt.s32 s0, $0x0;
	s8 =	sadd.s32 s30, s8  }
0x6b: {  	[tilespmem:s15], [sflag:$0x2] =	stream.indirect.gather [hbm4b:s1+s11], $0x80, s24, s11, $0xb8;
	[tilespmem:$0x15000] =	vst v63  }
0x6c: {  	s5 =	sadd.s32 s23, s5;
	s6 =	sadd.s32 s29, s6;
	_ =	swait.ge [sflag:s16], $0x4000  }
0x6d: {  	s29 =	sshll.u32 s0, $0x7;
	s24 =	sshrl.u32 s6, $0x1F;
	[sflag:s16] =	ssyncset.done $0x0  }
0x6e: {  	s23 =	simm.s32 $0x500;
	s2 =	sadd.s32 s4, s2;
	[sflag:s16] =	ssyncadd.s32 $0xFFFFC000  }
0x6f: {  	s25 =	sadd.s32 $0x3, s5;
	s0 =	sadd.s32 $0x500, s29;
	s6 =	sshra.s32 s6, $0x2  }
0x70: {  	s23 =	simm.s32 @!p3 $0x0;
	s24 =	sadd.s32 s24, s6;
	_ =	swait.ge [sflag:s16], $0x4000  }
0x71: {  	s5 =	smulhi.u32 $0x66666667, s25;
	s6 =	sshra.s32 s25, $0x1F;
	[sflag:s16] =	ssyncset.done $0x0  }
0x72: {  	s29 =	smov.u32 @p1 s0;
	s0 =	smul.u32 $0x66666667, s6;
	[sflag:s16] =	ssyncadd.s32 $0xFFFFC000  }
0x73: {  	p1 =	slt.s32 s26, s7;
	s8 =	sadd.s32 s29, s8;
	s29 =	smul.u32 $0xFFFFFFF6, s24  }
0x74: {  	s0 =	sadd.s32 s0, s5;
	s5 =	sshll.u32 s8, $0x4;
	s8 =	smov.u32 s7  }
0x75: {  	p3 =	slt.s32 s28, $0x0;
	s30 =	sadd.s32 s28, s29;
	s8 =	smov.u32 @p1 s26  }
0x76: {  	s9 =	sshra.s32 s0, $0x2;
	s26 =	simm.s32 $0x500;
	p1 =	slt.s32 s30, $0x0  }
0x77: {  	s8 =	sshll.u32 s8, $0xA;
	s26 =	simm.s32 @!p2 $0x0;
	p2 =	sne.s32 s30, $0x0  }
0x78: {  	[hbm4b:s2+s3] =	stream.linear.scatter [tilespmem:s12], [sflag:$0x3], $0x4000, $0x38;
	[tilespmem:$0x15000] =	vst v63  }
.Ltmp1:
0x79: {  	s29 =	sshra.s32 s8, $0x2;
	s2 =	sshrl.u32 s0, $0x1F;
	(pc) =	sbr.rel @p0 .LBB2_2-.Ltmp1, $4  }
0x7a: {  	p2 =	por !p3, !p2;
	s28 =	sor.u32 $0x80, s29;
	_ =	swait.ge [sflag:s10], $0x4000  }
0x7b: {  	p2 =	por !p2, !p2;
	s0 =	sadd.s32 s4, s5;
	[sflag:s10] =	ssyncset.done $0x0  }
0x7c: {  	s31 =	sshll.u32 s30, $0x7;
	s5 =	sadd.s32 s2, s9;
	[sflag:s10] =	ssyncadd.s32 $0xFFFFC000  }
0x7d: {  	s2 =	sadd.s32 $0x500, s31;
	s30 =	sadd.s32 s6, s5;
	s5 =	smul.u32 $0xFFFFFFF6, s5  }
.LBB2_3:
0x7e: {  	[hbm4b:s0+s3] =	stream.linear.scatter [tilespmem:s13], [sflag:$0x3], $0x4000, $0x38;
	[tilespmem:$0x15000] =	vst v63  }
0x7f: {  	_ =	swait.ge [sflag:s10], $0x4000  }
0x80: {  	[sflag:s10] =	ssyncset.done $0x0  }
0x81: {  	s0 =	simm.s32 $0x1;
	[sflag:s10] =	ssyncadd.s32 $0xFFFFC000  }
0x82: {  	[tilespmem:s12], [sflag:$0x1] =	stream.indirect.gather [hbm4b:s1+s11], $0x80, s29, s11, $0xb8;
	[tilespmem:$0x15000] =	vst v63  }
0x83: {  	s31 =	smov.u32 @p1 s2;
	s8 =	smul.u32 $0xA00, s30;
	s0 =	simm.s32 @!p2 $0x0  }
0x84: {  	[tilespmem:s13], [sflag:$0x1] =	stream.indirect.gather [hbm4b:s1+s11], $0x80, s28, s11, $0xb8;
	[tilespmem:$0x15000] =	vst v63  }
0x85: {  	s25 =	sadd.s32 s25, s5;
	s0 =	ssub.s32 s24, s0;
	_ =	swait.ge [sflag:s17], $0x4000  }
0x86: {  	s6 =	sshll.u32 s25, $0x7;
	s0 =	smul.u32 $0xA00, s0;
	[sflag:s17] =	ssyncset.done $0x0  }
0x87: {  	p0 =	slt.s32 s25, $0x0;
	s28 =	sadd.s32 s26, s31;
	[sflag:s17] =	ssyncadd.s32 $0xFFFFC000  }
0x88: {  	s2 =	sadd.s32 $0x500, s6;
	s0 =	sadd.s32 s0, s28;
	_ =	swait.ge [sflag:s17], $0x4000  }
0x89: {  	s29 =	sadd.s32 s23, s8;
	s0 =	sshll.u32 s0, $0x4;
	[sflag:s17] =	ssyncset.done $0x0  }
0x8a: {  	s6 =	smov.u32 @p0 s2;
	s0 =	sadd.s32 s4, s0;
	[sflag:s17] =	ssyncadd.s32 $0xFFFFC000  }
0x8b: {  	[hbm4b:s0+s3] =	stream.linear.scatter [tilespmem:s14], [sflag:$0x3], $0x4000, $0x38;
	[tilespmem:$0x15000] =	vst v63  }
0x8c: {  	s30 =	sadd.s32 s6, s29;
	_ =	swait.ge [sflag:s10], $0x4000  }
0x8d: {  	s0 =	sshll.u32 s30, $0x4;
	[sflag:s10] =	ssyncset.done $0x0  }
0x8e: {  	s0 =	sadd.s32 s4, s0;
	[sflag:s10] =	ssyncadd.s32 $0xFFFFC000  }
0x8f: {  	[hbm4b:s0+s3] =	stream.linear.scatter [tilespmem:s15], [sflag:$0x3], $0x4000, $0x38;
	[tilespmem:$0x15000] =	vst v63  }
0x90: {  	_ =	swait.ge [sflag:s10], $0x4000  }
0x91: {  	[sflag:s10] =	ssyncset.done $0x0  }
0x92: {  	[sflag:s10] =	ssyncadd.s32 $0xFFFFC000  }
0x93: {  	_ =	swait.ge [sflag:s16], $0x4000  }
0x94: {  	[sflag:s16] =	ssyncset.done $0x0  }
0x95: {  	[sflag:s16] =	ssyncadd.s32 $0xFFFFC000  }
0x96: {  	_ =	swait.ge [sflag:s16], $0x4000  }
0x97: {  	s18 =	sadd.s32 $0x1, s18;
	s31 =	rddreg [dreg:$0x6]  }
0x98: {  	p0 =	sne.s32 s18, s31  }
.Ltmp2:
0x99: {  	_ = 	snop;
	(pc) =	sbr.rel @p0 .LBB2_1-.Ltmp2, $3  }
0x9a: {  	_ =	sdelay $0x1  }
0x9b: {  	[sflag:s16] =	ssyncset.done $0x0  }
0x9c: {  	[sflag:s16] =	ssyncadd.s32 $0xFFFFC000  }
0x9d: {  	_ =	sfence.sel $0x180000  }
0x9e: {  	[bflag:$0x0] =	sbarrier.arrive $0xFFFF  }
0x9f: {  	_ =	strace $0x90000047  }
0xa0: {  	s0 =	stileid.u32;
	[bflag:$0x2] =	sbarrier.arrive $0xFFFF  }
0xa1: {  	p0 =	sne.s32 s0, $0x0;
	s0 =	rddreg [dreg:$0x3]  }
0xa2: {  	s0 =	sadd.s32 @!p0 $0x100000, s0  }
0xa3: {  	[sflag:s0] =	ssyncadd.tile.s32 @!p0 $0x1;
	_ =	shalt  }
.Lfunc_end2:
_tile_overlayer_lowered:
.L_overlay_start_2:
0xa4: {  	(tag) =	ssettag $0x2  }
0xa5: {  	s0 =	rddreg [dreg:$0x0];
	s2 =	stileid.u32  }
0xa6: {  	s1 =	rddreg [dreg:$0x1];
	p0 =	sne.s32 s2, $0x0  }
0xa7: {  	s3 =	rddreg [dreg:$0x2];
	[bflag:$0x3] =	sbarrier.arrive $0xFFFF;
	s2 =	simm.s32 @!p0 $0x1C03  }
0xa8: {  	[timem:s3], [sflag:s2] =	dma.local @!p0 [hbm:s0], s1  }
0xa9: {  	s0 =	simm.s32 @!p0 $0x3  }
0xaa: {  	_ =	swait.ge @!p0 [sflag:s0], s1  }
0xab: {  	s1 =	ssub.s32 @!p0 $0x0, s1;
	[sflag:s0] =	ssyncset.done @!p0 $0x0  }
0xac: {  	[sflag:s0] =	ssyncadd.s32 @!p0 s1  }
0xad: {  	[bflag:$0x3] =	sbarrier.arrive $0xFFFF  }
0xae: {  	_ =	shalt  }

</sc_bundles>
